<compile_context>
chip_gen: v7x
topology: tpu7x:2x2x1
jax: 0.10.2.dev20260603
libtpu: 0.0.44.dev20260713+nightly
codegen_flags: <defaults>
</compile_context>

<pallas_src>
import functools

import jax
import jax.numpy as jnp
from jax import lax
from jax.experimental import pallas as pl
from jax.experimental.pallas import tpu as pltpu
from jax.experimental.pallas import tpu_sc as plsc

B = 1024
D = 256
N_INSTANCES = 32768
N_CLASSES = 1000
N_CAMS = 8
P = N_CLASSES * N_CAMS
TEMP = 0.07
HARD_NEG_K = 50
LOSS_WEIGHT = 0.5

_SC_CORES = 2
_SC_SUBCORES = 16
_SC_WORKERS = _SC_CORES * _SC_SUBCORES
_CHUNK = B // _SC_WORKERS

_ROWS = 512
_N_TILES = B // _ROWS
_BISECT_ITERS = 13
_QSCALE = 32000.0


def _sc_gather_body(idx_hbm, tbl_hbm, out_hbm, idx_v, tbl_v, out_v):
    wid = lax.axis_index("s") * _SC_CORES + lax.axis_index("c")
    base = wid * _CHUNK
    pltpu.sync_copy(idx_hbm.at[pl.ds(base, _CHUNK)], idx_v)
    pltpu.sync_copy(tbl_hbm, tbl_v)
    for k in range(_CHUNK // 16):
        idx16 = idx_v[pl.ds(k * 16, 16)]
        out_v[pl.ds(k * 16, 16)] = plsc.load_gather(tbl_v, [idx16])
    pltpu.sync_copy(out_v, out_hbm.at[pl.ds(base, _CHUNK)])


@functools.cache
def _get_sc_gather():
    return pl.kernel(
        _sc_gather_body,
        out_type=jax.ShapeDtypeStruct((B,), jnp.int32),
        mesh=plsc.VectorSubcoreMesh(core_axis_name="c", subcore_axis_name="s"),
        compiler_params=pltpu.CompilerParams(needs_layout_passes=False),
        scratch_types=[
            pltpu.VMEM((_CHUNK,), jnp.int32),
            pltpu.VMEM((N_INSTANCES,), jnp.int32),
            pltpu.VMEM((_CHUNK,), jnp.int32),
        ],
    )


def _tc_body(feats_ref, proxy_ref, centers_ref, out_ref, acc_ref):
    step = pl.program_id(0)

    @pl.when(step == 0)
    def _init():
        acc_ref[...] = jnp.zeros_like(acc_ref)

    x = feats_ref[...]
    nrm = jnp.sqrt(jnp.sum(x * x, axis=1, keepdims=True))
    xn = x / jnp.maximum(nrm, 1e-12)
    s = lax.dot_general(
        xn, centers_ref[...], (((1,), (1,)), ((), ())),
        preferred_element_type=jnp.float32,
        precision=lax.Precision.DEFAULT,
    )

    pv = proxy_ref[...]
    lb = pv // N_CAMS
    cb = pv - lb * N_CAMS

    colc = lax.broadcasted_iota(jnp.int32, (1, P), 1)
    colmod = colc % N_CAMS
    coldiv = colc // N_CAMS
    cammask = colmod == cb
    posmask = coldiv == lb

    m = jnp.max(s, axis=1, keepdims=True)
    e = jnp.exp((s - m) * (1.0 / TEMP))

    pos_sum_s = jnp.sum(jnp.where(posmask, s, 0.0), axis=1, keepdims=True)
    pos_mean = pos_sum_s * (1.0 / (N_CAMS * TEMP))
    pos_own = jnp.sum(jnp.where(colc == pv, s, 0.0), axis=1,
                      keepdims=True) * (1.0 / TEMP)

    intra_sum = jnp.sum(jnp.where(cammask, e, 0.0), axis=1, keepdims=True)
    loss_intra = m * (1.0 / TEMP) + jnp.log(intra_sum) - pos_own

    v = jnp.where(posmask, -1e30, s)
    kf = jnp.float32(HARD_NEG_K)
    q = jnp.clip(v * _QSCALE, -32768.0, 32767.0).astype(jnp.int16)
    pad = (-P) % 128
    qp = jnp.concatenate(
        [q, jnp.full((_ROWS, pad), -32768, jnp.int16)], axis=1)
    one16 = jnp.full((1, 1), 1, jnp.int16)
    zero16 = jnp.full((1, 1), 0, jnp.int16)
    n_chunks = (P + pad) // 128

    def count_gt(mid):
        mid16 = mid.astype(jnp.int16)
        acc = jnp.zeros((_ROWS, 128), jnp.int16)
        for c in range(n_chunks):
            acc = acc + jnp.where(qp[:, c * 128:(c + 1) * 128] > mid16,
                                  one16, zero16)
        return jnp.sum(acc.astype(jnp.float32), axis=1, keepdims=True)

    def bisect(_, carry):
        lo, hi, cnt_hi = carry
        mid = (lo + hi) >> 1
        cnt = count_gt(mid)
        ge = cnt >= kf
        return (jnp.where(ge, mid, lo), jnp.where(ge, hi, mid),
                jnp.where(ge, cnt_hi, cnt))

    lo0 = jnp.full((_ROWS, 1), -32768, jnp.int32)
    hi0 = jnp.full((_ROWS, 1), 32767, jnp.int32)
    cnt0 = jnp.zeros((_ROWS, 1), jnp.float32)
    lo, hi, cnt_hi = lax.fori_loop(0, _BISECT_ITERS, bisect, (lo0, hi0, cnt0))
    hi16 = hi.astype(jnp.int16)
    both_sum = jnp.sum(
        jnp.where((q > hi16) | (q == jnp.int16(-32768)), e, 0.0),
        axis=1, keepdims=True)
    vb = hi.astype(jnp.float32) * (1.0 / _QSCALE)
    both_sum = both_sum + (kf - cnt_hi) * jnp.exp((vb - m) * (1.0 / TEMP))
    lse_inter = m * (1.0 / TEMP) + jnp.log(both_sum)
    loss_inter = lse_inter - pos_mean

    lane = lax.broadcasted_iota(jnp.int32, (1, 128), 1)
    oh = (cb == lane).astype(jnp.float32)
    acc_ref[0:1, :] += jnp.sum(loss_intra * oh, axis=0, keepdims=True)
    acc_ref[1:2, :] += jnp.sum(loss_inter * oh, axis=0, keepdims=True)
    acc_ref[2:3, :] += jnp.sum(oh, axis=0, keepdims=True)

    @pl.when(step == _N_TILES - 1)
    def _finish():
        s_in = acc_ref[0:1, :]
        s_it = acc_ref[1:2, :]
        cnt = acc_ref[2:3, :]
        safe = jnp.maximum(cnt, 1.0)
        mean_in = jnp.where(cnt > 0, s_in / safe, 0.0)
        mean_it = jnp.where(cnt > 0, s_it / safe, 0.0)
        tot_in = jnp.sum(mean_in)
        tot_it = LOSS_WEIGHT * jnp.sum(mean_it)
        lane_o = lax.broadcasted_iota(jnp.int32, (1, 128), 1)
        row = jnp.where(lane_o == 0, tot_in,
                        jnp.where(lane_o == 1, tot_it, 0.0))
        out_ref[...] = jnp.broadcast_to(row, out_ref.shape)


def _tc_loss(feats, proxy2, centers):
    return pl.pallas_call(
        _tc_body,
        grid=(_N_TILES,),
        in_specs=[
            pl.BlockSpec((_ROWS, D), lambda i: (i, 0)),
            pl.BlockSpec((_ROWS, 1), lambda i: (i, 0)),
            pl.BlockSpec((P, D), lambda i: (0, 0)),
        ],
        out_specs=pl.BlockSpec((8, 128), lambda i: (0, 0)),
        out_shape=jax.ShapeDtypeStruct((8, 128), jnp.float32),
        scratch_shapes=[pltpu.VMEM((8, 128), jnp.float32)],
    )(feats, proxy2, centers)


def kernel(feats, indexes, labels, cams, centers):
    packed = labels * N_CAMS + cams
    proxy_b = _get_sc_gather()(indexes.astype(jnp.int32),
                               packed.astype(jnp.int32))
    out = _tc_loss(feats, proxy_b.reshape(B, 1), centers)
    return out[0, :2]

# --- scband reference (transcript-rebuilt; emitter-appended) ---
"""Pipeline reference for scband-capmemory-33148557591294 (READ-ONLY COPY).

The authoritative reference and input builder live on the scoring server;
editing this copy changes nothing except your own understanding.
"""

import jax, jax.numpy as jnp
import numpy as np

B = 1024
D = 256
N_INSTANCES = 32768
N_CLASSES = 1000
N_CAMS = 8
P = N_CLASSES * N_CAMS
TEMP = 0.07
HARD_NEG_K = 50
MOMENTUM = 0.2
INTERCAM_EPOCH = 5
CUR_EPOCH = 10  # >= INTERCAM_EPOCH, so both intra and inter losses are active
LOSS_WEIGHT = 0.5


def setup_inputs(seed: int = 0) -> dict:
    key = jax.random.key(seed)
    k1, k2, k3, k4, k5 = jax.random.split(key, 5)
    feats = jax.random.normal(k1, (B, D), dtype=jnp.float32)
    indexes = jax.random.randint(k2, (B,), 0, N_INSTANCES)
    # memory-bank state built by _update_center: per-instance labels/cams and
    # camera-aware proxy centers, proxy id = label * N_CAMS + cam
    labels = jax.random.randint(k3, (N_INSTANCES,), 0, N_CLASSES)
    cams = jax.random.randint(k4, (N_INSTANCES,), 0, N_CAMS)
    centers = jax.random.normal(k5, (P, D), dtype=jnp.float32)
    centers = centers / jnp.clip(jnp.linalg.norm(centers, axis=1, keepdims=True), 1e-12)
    return {"feats": feats, "indexes": indexes, "labels": labels, "cams": cams, "centers": centers}


def reference(feats, indexes, labels, cams, centers):
    # cfg.CAP.NORM_FEAT: F.normalize(feats, p=2, dim=1)
    x = feats / jnp.clip(jnp.linalg.norm(feats, axis=1, keepdims=True), 1e-12)
    labels_b = jnp.take(labels, indexes)
    cams_b = jnp.take(cams, indexes)
    n = x.shape[0]
    # Proxy.apply is identity in forward (center momentum update is a backward side effect)
    # full similarity matrix vs proxy centers (temp_centers == centers at this step)
    S = x @ centers.T  # [B, P]
    # ---- intra-camera loss ----
    # cam2proxy[c] = [j*N_CAMS + c for j in range(N_CLASSES)] (label-major order);
    # index of sample's own proxy within that list is labels_b[i]
    intra_idx = jnp.arange(N_CLASSES)[None, :] * N_CAMS + cams_b[:, None]  # [B, N_CLASSES]
    intra_logits = jnp.take_along_axis(S, intra_idx, axis=1) / TEMP
    intra_logp = jax.nn.log_softmax(intra_logits, axis=1)
    loss_intra_i = -jnp.take_along_axis(intra_logp, labels_b[:, None], axis=1)[:, 0]  # [B]
    # ---- inter-camera hard-negative loss ----
    # label2proxy[l] = [l*N_CAMS + c for c in range(N_CAMS)]
    pos_idx = labels_b[:, None] * N_CAMS + jnp.arange(N_CAMS)[None, :]  # [B, N_CAMS]
    masked = jax.lax.stop_gradient(S)
    masked = masked.at[jnp.arange(n)[:, None], pos_idx].set(-10000.0)
    _, neg_idx = jax.lax.top_k(masked, HARD_NEG_K)  # torch.sort(...)[1][-k:]
    logits_all = S / TEMP
    pos_logits = jnp.take_along_axis(logits_all, pos_idx, axis=1)
    neg_logits = jnp.take_along_axis(logits_all, neg_idx, axis=1)
    conc = jnp.concatenate([pos_logits, neg_logits], axis=1)  # [B, N_CAMS + K]
    target = jnp.concatenate([
        jnp.full((N_CAMS,), 1.0 / N_CAMS, dtype=jnp.float32),
        jnp.zeros((HARD_NEG_K,), dtype=jnp.float32),
    ])
    loss_inter_i = jnp.sum(-jax.nn.log_softmax(conc, axis=1) * target[None, :], axis=1)  # [B]
    # ---- per-camera mean aggregation over cameras present in batch ----
    onehot = (cams_b[:, None] == jnp.arange(N_CAMS)[None, :]).astype(jnp.float32)  # [B, N_CAMS]
    cnt = onehot.sum(axis=0)
    intra_means = jnp.where(cnt > 0, (loss_intra_i[:, None] * onehot).sum(axis=0) / jnp.maximum(cnt, 1.0), 0.0)
    inter_means = jnp.where(cnt > 0, (loss_inter_i[:, None] * onehot).sum(axis=0) / jnp.maximum(cnt, 1.0), 0.0)
    loss_intra = intra_means.sum()
    loss_inter = LOSS_WEIGHT * inter_means.sum()
    # torch returns {'loss_intra': ..., 'loss_inter': ...}; packed as [2] array
    return jnp.stack([loss_intra, loss_inter])

if __name__ == "__main__":
    import jax
    _d = setup_inputs()
    print(jax.jit(kernel)(*tuple(_d.values())))

</pallas_src>

<mosaic_0001>
#map = affine_map<(d0, d1) -> (0)>
module attributes {stable_mosaic.version = 14 : i64} {
  func.func @_sc_gather_body(%arg0: i32, %arg1: i32, %arg2: memref<1024xi32, #tpu.memory_space<hbm>>, %arg3: memref<32768xi32, #tpu.memory_space<hbm>>, %arg4: memref<1024xi32, #tpu.memory_space<hbm>>, %arg5: memref<32xi32, #tpu.memory_space<vmem>>, %arg6: memref<32768xi32, #tpu.memory_space<vmem>>, %arg7: memref<32xi32, #tpu.memory_space<vmem>>) attributes {dimension_semantics = [#tpu.dimension_semantics<core_parallel>, #tpu.dimension_semantics<subcore_parallel>], iteration_bounds = array<i64: 2, 16>, scalar_prefetch = 0 : i64, scratch_operands = 3 : i64, tpu.core_type = #tpu.core_type<sc_vector_subcore>, window_params = [{transform_indices = #map}, {transform_indices = #map}, {transform_indices = #map}]} {
    %mul3A = arith.constant 2 : i32
    %mul3A_0 = arith.muli %arg1, %mul3A : i32
    %add3A = arith.addi %mul3A_0, %arg0 : i32
    %mul3A_1 = arith.constant 32 : i32
    %mul3A_2 = arith.muli %add3A, %mul3A_1 : i32
    "tpu.region"() ({
      %run_scoped3A = tpu.sem_alloc : memref<!tpu.dma_semaphore, #tpu.memory_space<semaphore_mem>>
      %dma_start3A = tpu.memref_slice %arg2[%mul3A_2] : memref<1024xi32, #tpu.memory_space<hbm>> -> memref<32xi32, #tpu.memory_space<hbm>>
      %dma_start3A_10 = tpu.memref_slice %arg2[%mul3A_2] : memref<1024xi32, #tpu.memory_space<hbm>> -> memref<32xi32, #tpu.memory_space<hbm>>
      tpu.enqueue_dma source(%dma_start3A_10 : memref<32xi32, #tpu.memory_space<hbm>>) target(%arg5 : memref<32xi32, #tpu.memory_space<vmem>>) target_semaphore(%run_scoped3A : memref<!tpu.dma_semaphore, #tpu.memory_space<semaphore_mem>>)
      %dma_wait3A = tpu.memref_slice %arg2[%mul3A_2] : memref<1024xi32, #tpu.memory_space<hbm>> -> memref<32xi32, #tpu.memory_space<hbm>>
      %dma_wait3A_11 = tpu.memref_slice %arg2[%mul3A_2] : memref<1024xi32, #tpu.memory_space<hbm>> -> memref<32xi32, #tpu.memory_space<hbm>>
      tpu.wait_dma2 semaphore(%run_scoped3A : memref<!tpu.dma_semaphore, #tpu.memory_space<semaphore_mem>>) src(%dma_wait3A_11 : memref<32xi32, #tpu.memory_space<hbm>>) dst(%arg5 : memref<32xi32, #tpu.memory_space<vmem>>)
      tpu.yield
    }) : () -> ()
    "tpu.region"() ({
      %run_scoped3A = tpu.sem_alloc : memref<!tpu.dma_semaphore, #tpu.memory_space<semaphore_mem>>
      tpu.enqueue_dma source(%arg3 : memref<32768xi32, #tpu.memory_space<hbm>>) target(%arg6 : memref<32768xi32, #tpu.memory_space<vmem>>) target_semaphore(%run_scoped3A : memref<!tpu.dma_semaphore, #tpu.memory_space<semaphore_mem>>)
      tpu.wait_dma2 semaphore(%run_scoped3A : memref<!tpu.dma_semaphore, #tpu.memory_space<semaphore_mem>>) src(%arg3 : memref<32768xi32, #tpu.memory_space<hbm>>) dst(%arg6 : memref<32768xi32, #tpu.memory_space<vmem>>)
      tpu.yield
    }) : () -> ()
    %get3A = arith.constant 0 : index
    %get3A_3 = tpu.vector_load %arg5[%get3A] {strides = array<i32>} : memref<32xi32, #tpu.memory_space<vmem>>, vector<16xi32>,
    %gather3A = tpu.vector_load_idx %arg6[%get3A_3] : memref<32768xi32, #tpu.memory_space<vmem>>[vector<16xi32>], vector<16xi32>,
    %swap3A = arith.constant 0 : index
    %swap3A_4 = tpu.vector_load %arg7[%swap3A] {strides = array<i32>} : memref<32xi32, #tpu.memory_space<vmem>>, vector<16xi32>,
    tpu.vector_store %arg7[%swap3A], %gather3A {strides = array<i32>} : memref<32xi32, #tpu.memory_space<vmem>>, vector<16xi32>,
    %get3A_5 = arith.constant 16 : index
    %get3A_6 = tpu.vector_load %arg5[%get3A_5] {strides = array<i32>} : memref<32xi32, #tpu.memory_space<vmem>>, vector<16xi32>,
    %gather3A_7 = tpu.vector_load_idx %arg6[%get3A_6] : memref<32768xi32, #tpu.memory_space<vmem>>[vector<16xi32>], vector<16xi32>,
    %swap3A_8 = arith.constant 16 : index
    %swap3A_9 = tpu.vector_load %arg7[%swap3A_8] {strides = array<i32>} : memref<32xi32, #tpu.memory_space<vmem>>, vector<16xi32>,
    tpu.vector_store %arg7[%swap3A_8], %gather3A_7 {strides = array<i32>} : memref<32xi32, #tpu.memory_space<vmem>>, vector<16xi32>,
    "tpu.region"() ({
      %run_scoped3A = tpu.sem_alloc : memref<!tpu.dma_semaphore, #tpu.memory_space<semaphore_mem>>
      %dma_start3A = tpu.memref_slice %arg4[%mul3A_2] : memref<1024xi32, #tpu.memory_space<hbm>> -> memref<32xi32, #tpu.memory_space<hbm>>
      %dma_start3A_10 = tpu.memref_slice %arg4[%mul3A_2] : memref<1024xi32, #tpu.memory_space<hbm>> -> memref<32xi32, #tpu.memory_space<hbm>>
      tpu.enqueue_dma source(%arg7 : memref<32xi32, #tpu.memory_space<vmem>>) target(%dma_start3A_10 : memref<32xi32, #tpu.memory_space<hbm>>) target_semaphore(%run_scoped3A : memref<!tpu.dma_semaphore, #tpu.memory_space<semaphore_mem>>)
      %dma_wait3A = tpu.memref_slice %arg4[%mul3A_2] : memref<1024xi32, #tpu.memory_space<hbm>> -> memref<32xi32, #tpu.memory_space<hbm>>
      %dma_wait3A_11 = tpu.memref_slice %arg4[%mul3A_2] : memref<1024xi32, #tpu.memory_space<hbm>> -> memref<32xi32, #tpu.memory_space<hbm>>
      tpu.wait_dma2 semaphore(%run_scoped3A : memref<!tpu.dma_semaphore, #tpu.memory_space<semaphore_mem>>) src(%arg7 : memref<32xi32, #tpu.memory_space<vmem>>) dst(%dma_wait3A_11 : memref<32xi32, #tpu.memory_space<hbm>>)
      tpu.yield
    }) : () -> ()
    return
  }
}

module attributes {stable_mosaic.version = 14 : i64} {
  func.func @_tc_body(%arg0: i32, %arg1: memref<512x256xf32, #tpu.memory_space<vmem>>, %arg2: memref<512x1xi32, #tpu.memory_space<vmem>>, %arg3: memref<8000x256xf32, #tpu.memory_space<vmem>>, %arg4: memref<8x128xf32, #tpu.memory_space<vmem>>, %arg5: memref<8x128xf32, #tpu.memory_space<vmem>>) attributes {dimension_semantics = [#tpu.dimension_semantics<arbitrary>], iteration_bounds = array<i64: 2>, scalar_prefetch = 0 : i64, scratch_operands = 1 : i64, tpu.core_type = #tpu.core_type<tc>, window_params = [{transform_indices = @transform_0, window_bounds = array<i64: 512, 256>}, {transform_indices = @transform_1, window_bounds = array<i64: 512, 1>}, {pipeline_mode = #tpu.pipeline_mode<synchronous>, transform_indices = @transform_2, window_bounds = array<i64: 8000, 256>}, {pipeline_mode = #tpu.pipeline_mode<synchronous>, transform_indices = @transform_3, window_bounds = array<i64: 8, 128>}]} {
    %eq3A = arith.constant 0 : i32
    %eq3A_0 = arith.cmpi eq, %arg0, %eq3A : i32
    %convert_element_type3A = arith.extui %eq3A_0 : i1 to i32
    %cond3A = arith.constant 0 : i32
    %cond3A_1 = arith.cmpi ne, %convert_element_type3A, %cond3A : i32
    scf.if %cond3A_1 {
      %broadcast_in_dim3A_243 = arith.constant 0.000000e+00 : f32
      %broadcast_in_dim3A_244 = vector.broadcast %broadcast_in_dim3A_243 : f32 to vector<8x128xf32>
      %swap3A_245 = arith.constant 0 : index
      %swap3A_246 = arith.constant 0 : index
      %swap3A_247 = vector.load %arg5[%swap3A_245, %swap3A_246] : memref<8x128xf32, #tpu.memory_space<vmem>>, vector<8x128xf32>
      tpu.vector_store %arg5[%swap3A_245, %swap3A_246], %broadcast_in_dim3A_244 {strides = array<i32>} : memref<8x128xf32, #tpu.memory_space<vmem>>, vector<8x128xf32>,
    } else {
    }
    %get3A = arith.constant 0 : index
    %get3A_2 = arith.constant 0 : index
    %get3A_3 = vector.load %arg1[%get3A, %get3A_2] : memref<512x256xf32, #tpu.memory_space<vmem>>, vector<512x256xf32>
    %mul3A = arith.mulf %get3A_3, %get3A_3 : vector<512x256xf32>
    %reduce_sum3A = arith.constant dense<0.000000e+00> : vector<512xf32>
    %reduce_sum3A_4 = vector.multi_reduction <add>, %mul3A, %reduce_sum3A [1] : vector<512x256xf32> to vector<512xf32>
    %broadcast_in_dim3A = vector.shape_cast %reduce_sum3A_4 : vector<512xf32> to vector<512x1xf32>
    %sqrt3A = math.sqrt %broadcast_in_dim3A : vector<512x1xf32>
    %max3A = arith.constant 9.99999996E-13 : f32
    %max3A_5 = vector.broadcast %max3A : f32 to vector<512x1xf32>
    %max3A_6 = arith.maximumf %sqrt3A, %max3A_5 : vector<512x1xf32>
    %div3A = vector.broadcast %max3A_6 : vector<512x1xf32> to vector<512x256xf32>
    %div3A_7 = arith.divf %get3A_3, %div3A : vector<512x256xf32>
    %get3A_8 = arith.constant 0 : index
    %get3A_9 = arith.constant 0 : index
    %get3A_10 = vector.load %arg3[%get3A_8, %get3A_9] : memref<8000x256xf32, #tpu.memory_space<vmem>>, vector<8000x256xf32>
    %dot_general3A = arith.constant dense<0.000000e+00> : vector<512x8000xf32>
    %dot_general3A_11 = tpu.matmul %div3A_7, %get3A_10, %dot_general3A {dimension_numbers = #tpu.dot_dimension_numbers<[1], [1], [0], [0], [0, 0, 1, 0], [], []>, transpose_lhs_hint = false} : vector<512x256xf32>, vector<8000x256xf32>, vector<512x8000xf32> -> vector<512x8000xf32>
    %get3A_12 = arith.constant 0 : index
    %get3A_13 = arith.constant 0 : index
    %get3A_14 = vector.load %arg2[%get3A_12, %get3A_13] : memref<512x1xi32, #tpu.memory_space<vmem>>, vector<512x1xi32>
    %jit3A = arith.constant 8 : i32
    %div3A_15 = vector.broadcast %jit3A : i32 to vector<512x1xi32>
    %div3A_16 = arith.divsi %get3A_14, %div3A_15 : vector<512x1xi32>
    %sign3A = arith.constant 0 : i32
    %sign3A_17 = vector.broadcast %sign3A : i32 to vector<512x1xi32>
    %sign3A_18 = arith.cmpi sgt, %get3A_14, %sign3A_17 : vector<512x1xi32>
    %sign3A_19 = arith.extui %sign3A_18 : vector<512x1xi1> to vector<512x1xi32>
    %sign3A_20 = arith.constant 0 : i32
    %sign3A_21 = vector.broadcast %sign3A_20 : i32 to vector<512x1xi32>
    %sign3A_22 = arith.cmpi slt, %get3A_14, %sign3A_21 : vector<512x1xi32>
    %sign3A_23 = arith.extui %sign3A_22 : vector<512x1xi1> to vector<512x1xi32>
    %sign3A_24 = arith.subi %sign3A_19, %sign3A_23 : vector<512x1xi32>
    %sign3A_25 = arith.constant 0 : i32
    %sign3A_26 = arith.cmpi sgt, %jit3A, %sign3A_25 : i32
    %sign3A_27 = arith.extui %sign3A_26 : i1 to i32
    %sign3A_28 = arith.constant 0 : i32
    %sign3A_29 = arith.cmpi slt, %jit3A, %sign3A_28 : i32
    %sign3A_30 = arith.extui %sign3A_29 : i1 to i32
    %sign3A_31 = arith.subi %sign3A_27, %sign3A_30 : i32
    %ne3A = vector.broadcast %sign3A_31 : i32 to vector<512x1xi32>
    %ne3A_32 = arith.cmpi ne, %sign3A_24, %ne3A : vector<512x1xi32>
    %rem3A = vector.broadcast %jit3A : i32 to vector<512x1xi32>
    %rem3A_33 = arith.remsi %get3A_14, %rem3A : vector<512x1xi32>
    %ne3A_34 = arith.constant 0 : i32
    %ne3A_35 = vector.broadcast %ne3A_34 : i32 to vector<512x1xi32>
    %ne3A_36 = arith.cmpi ne, %rem3A_33, %ne3A_35 : vector<512x1xi32>
    %and3A = arith.andi %ne3A_32, %ne3A_36 : vector<512x1xi1>
    %sub3A = arith.constant 1 : i32
    %sub3A_37 = vector.broadcast %sub3A : i32 to vector<512x1xi32>
    %sub3A_38 = arith.subi %div3A_16, %sub3A_37 : vector<512x1xi32>
    %select_n3A = arith.select %and3A, %sub3A_38, %div3A_16 : vector<512x1xi1>, vector<512x1xi32>
    %mul3A_39 = arith.constant 8 : i32
    %mul3A_40 = vector.broadcast %mul3A_39 : i32 to vector<512x1xi32>
    %mul3A_41 = arith.muli %select_n3A, %mul3A_40 : vector<512x1xi32>
    %sub3A_42 = arith.subi %get3A_14, %mul3A_41 : vector<512x1xi32>
    %iota3A = tpu.iota {dimensions = array<i32: 1>} : vector<1x8000xi32>
    %jit3A_43 = arith.constant 8 : i32
    %eq3A_44 = arith.constant 0 : i32
    %eq3A_45 = arith.cmpi eq, %jit3A_43, %eq3A_44 : i32
    %jit3A_46 = arith.constant 1 : i32
    %select_n3A_47 = arith.select %eq3A_45, %jit3A_46, %jit3A_43 : i32
    %rem3A_48 = vector.broadcast %select_n3A_47 : i32 to vector<1x8000xi32>
    %rem3A_49 = arith.remsi %iota3A, %rem3A_48 : vector<1x8000xi32>
    %ne3A_50 = arith.constant 0 : i32
    %ne3A_51 = vector.broadcast %ne3A_50 : i32 to vector<1x8000xi32>
    %ne3A_52 = arith.cmpi ne, %rem3A_49, %ne3A_51 : vector<1x8000xi32>
    %lt3A = arith.constant 0 : i32
    %lt3A_53 = vector.broadcast %lt3A : i32 to vector<1x8000xi32>
    %lt3A_54 = arith.cmpi slt, %rem3A_49, %lt3A_53 : vector<1x8000xi32>
    %lt3A_55 = arith.constant 0 : i32
    %lt3A_56 = arith.cmpi slt, %select_n3A_47, %lt3A_55 : i32
    %ne3A_57 = vector.broadcast %lt3A_56 : i1 to vector<1x8000xi1>
    %ne3A_58 = vector.broadcast %ne3A_57 : vector<1x8000xi1> to vector<1x8000xi1>
    %ne3A_59 = arith.xori %lt3A_54, %ne3A_58 : vector<1x8000xi1>
    %and3A_60 = arith.andi %ne3A_59, %ne3A_52 : vector<1x8000xi1>
    %add3A = vector.broadcast %select_n3A_47 : i32 to vector<1x8000xi32>
    %add3A_61 = arith.addi %rem3A_49, %add3A : vector<1x8000xi32>
    %select_n3A_62 = arith.select %and3A_60, %add3A_61, %rem3A_49 : vector<1x8000xi1>, vector<1x8000xi32>
    %jit3A_63 = arith.constant 8 : i32
    %div3A_64 = vector.broadcast %jit3A_63 : i32 to vector<1x8000xi32>
    %div3A_65 = arith.divsi %iota3A, %div3A_64 : vector<1x8000xi32>
    %sign3A_66 = arith.constant 0 : i32
    %sign3A_67 = vector.broadcast %sign3A_66 : i32 to vector<1x8000xi32>
    %sign3A_68 = arith.cmpi sgt, %iota3A, %sign3A_67 : vector<1x8000xi32>
    %sign3A_69 = arith.extui %sign3A_68 : vector<1x8000xi1> to vector<1x8000xi32>
    %sign3A_70 = arith.constant 0 : i32
    %sign3A_71 = vector.broadcast %sign3A_70 : i32 to vector<1x8000xi32>
    %sign3A_72 = arith.cmpi slt, %iota3A, %sign3A_71 : vector<1x8000xi32>
    %sign3A_73 = arith.extui %sign3A_72 : vector<1x8000xi1> to vector<1x8000xi32>
    %sign3A_74 = arith.subi %sign3A_69, %sign3A_73 : vector<1x8000xi32>
    %sign3A_75 = arith.constant 0 : i32
    %sign3A_76 = arith.cmpi sgt, %jit3A_63, %sign3A_75 : i32
    %sign3A_77 = arith.extui %sign3A_76 : i1 to i32
    %sign3A_78 = arith.constant 0 : i32
    %sign3A_79 = arith.cmpi slt, %jit3A_63, %sign3A_78 : i32
    %sign3A_80 = arith.extui %sign3A_79 : i1 to i32
    %sign3A_81 = arith.subi %sign3A_77, %sign3A_80 : i32
    %ne3A_82 = vector.broadcast %sign3A_81 : i32 to vector<1x8000xi32>
    %ne3A_83 = arith.cmpi ne, %sign3A_74, %ne3A_82 : vector<1x8000xi32>
    %rem3A_84 = vector.broadcast %jit3A_63 : i32 to vector<1x8000xi32>
    %rem3A_85 = arith.remsi %iota3A, %rem3A_84 : vector<1x8000xi32>
    %ne3A_86 = arith.constant 0 : i32
    %ne3A_87 = vector.broadcast %ne3A_86 : i32 to vector<1x8000xi32>
    %ne3A_88 = arith.cmpi ne, %rem3A_85, %ne3A_87 : vector<1x8000xi32>
    %and3A_89 = arith.andi %ne3A_83, %ne3A_88 : vector<1x8000xi1>
    %sub3A_90 = arith.constant 1 : i32
    %sub3A_91 = vector.broadcast %sub3A_90 : i32 to vector<1x8000xi32>
    %sub3A_92 = arith.subi %div3A_65, %sub3A_91 : vector<1x8000xi32>
    %select_n3A_93 = arith.select %and3A_89, %sub3A_92, %div3A_65 : vector<1x8000xi1>, vector<1x8000xi32>
    %eq3A_94 = vector.broadcast %select_n3A_62 : vector<1x8000xi32> to vector<512x8000xi32>
    %eq3A_95 = vector.broadcast %sub3A_42 : vector<512x1xi32> to vector<512x8000xi32>
    %eq3A_96 = arith.cmpi eq, %eq3A_94, %eq3A_95 : vector<512x8000xi32>
    %eq3A_97 = vector.broadcast %select_n3A_93 : vector<1x8000xi32> to vector<512x8000xi32>
    %eq3A_98 = vector.broadcast %select_n3A : vector<512x1xi32> to vector<512x8000xi32>
    %eq3A_99 = arith.cmpi eq, %eq3A_97, %eq3A_98 : vector<512x8000xi32>
    %reduce_max3A = arith.constant dense<0xFF800000> : vector<512xf32>
    %reduce_max3A_100 = vector.multi_reduction <maximumf>, %dot_general3A_11, %reduce_max3A [1] : vector<512x8000xf32> to vector<512xf32>
    %broadcast_in_dim3A_101 = vector.shape_cast %reduce_max3A_100 : vector<512xf32> to vector<512x1xf32>
    %sub3A_102 = vector.broadcast %broadcast_in_dim3A_101 : vector<512x1xf32> to vector<512x8000xf32>
    %sub3A_103 = arith.subf %dot_general3A_11, %sub3A_102 : vector<512x8000xf32>
    %mul3A_104 = arith.constant 14.2857141 : f32
    %mul3A_105 = vector.broadcast %mul3A_104 : f32 to vector<512x8000xf32>
    %mul3A_106 = arith.mulf %sub3A_103, %mul3A_105 : vector<512x8000xf32>
    %exp3A = math.exp %mul3A_106 : vector<512x8000xf32>
    %jit3A_107 = arith.constant 0.000000e+00 : f32
    %broadcast_in_dim3A_108 = vector.broadcast %jit3A_107 : f32 to vector<512x8000xf32>
    %select_n3A_109 = arith.select %eq3A_99, %dot_general3A_11, %broadcast_in_dim3A_108 : vector<512x8000xi1>, vector<512x8000xf32>
    %reduce_sum3A_110 = arith.constant dense<0.000000e+00> : vector<512xf32>
    %reduce_sum3A_111 = vector.multi_reduction <add>, %select_n3A_109, %reduce_sum3A_110 [1] : vector<512x8000xf32> to vector<512xf32>
    %broadcast_in_dim3A_112 = vector.shape_cast %reduce_sum3A_111 : vector<512xf32> to vector<512x1xf32>
    %mul3A_113 = arith.constant 1.78571427 : f32
    %mul3A_114 = vector.broadcast %mul3A_113 : f32 to vector<512x1xf32>
    %mul3A_115 = arith.mulf %broadcast_in_dim3A_112, %mul3A_114 : vector<512x1xf32>
    %eq3A_116 = vector.broadcast %iota3A : vector<1x8000xi32> to vector<512x8000xi32>
    %eq3A_117 = vector.broadcast %get3A_14 : vector<512x1xi32> to vector<512x8000xi32>
    %eq3A_118 = arith.cmpi eq, %eq3A_116, %eq3A_117 : vector<512x8000xi32>
    %jit3A_119 = arith.constant 0.000000e+00 : f32
    %broadcast_in_dim3A_120 = vector.broadcast %jit3A_119 : f32 to vector<512x8000xf32>
    %select_n3A_121 = arith.select %eq3A_118, %dot_general3A_11, %broadcast_in_dim3A_120 : vector<512x8000xi1>, vector<512x8000xf32>
    %reduce_sum3A_122 = arith.constant dense<0.000000e+00> : vector<512xf32>
    %reduce_sum3A_123 = vector.multi_reduction <add>, %select_n3A_121, %reduce_sum3A_122 [1] : vector<512x8000xf32> to vector<512xf32>
    %broadcast_in_dim3A_124 = vector.shape_cast %reduce_sum3A_123 : vector<512xf32> to vector<512x1xf32>
    %mul3A_125 = arith.constant 14.2857141 : f32
    %mul3A_126 = vector.broadcast %mul3A_125 : f32 to vector<512x1xf32>
    %mul3A_127 = arith.mulf %broadcast_in_dim3A_124, %mul3A_126 : vector<512x1xf32>
    %jit3A_128 = arith.constant 0.000000e+00 : f32
    %broadcast_in_dim3A_129 = vector.broadcast %jit3A_128 : f32 to vector<512x8000xf32>
    %select_n3A_130 = arith.select %eq3A_96, %exp3A, %broadcast_in_dim3A_129 : vector<512x8000xi1>, vector<512x8000xf32>
    %reduce_sum3A_131 = arith.constant dense<0.000000e+00> : vector<512xf32>
    %reduce_sum3A_132 = vector.multi_reduction <add>, %select_n3A_130, %reduce_sum3A_131 [1] : vector<512x8000xf32> to vector<512xf32>
    %broadcast_in_dim3A_133 = vector.shape_cast %reduce_sum3A_132 : vector<512xf32> to vector<512x1xf32>
    %mul3A_134 = arith.constant 14.2857141 : f32
    %mul3A_135 = vector.broadcast %mul3A_134 : f32 to vector<512x1xf32>
    %mul3A_136 = arith.mulf %broadcast_in_dim3A_101, %mul3A_135 : vector<512x1xf32>
    %log3A = math.log %broadcast_in_dim3A_133 : vector<512x1xf32>
    %add3A_137 = arith.addf %mul3A_136, %log3A : vector<512x1xf32>
    %sub3A_138 = arith.subf %add3A_137, %mul3A_127 : vector<512x1xf32>
    %jit3A_139 = arith.constant -1.000000e+30 : f32
    %broadcast_in_dim3A_140 = vector.broadcast %jit3A_139 : f32 to vector<512x8000xf32>
    %select_n3A_141 = arith.select %eq3A_99, %broadcast_in_dim3A_140, %dot_general3A_11 : vector<512x8000xi1>, vector<512x8000xf32>
    %mul3A_142 = arith.constant 3.200000e+04 : f32
    %mul3A_143 = vector.broadcast %mul3A_142 : f32 to vector<512x8000xf32>
    %mul3A_144 = arith.mulf %select_n3A_141, %mul3A_143 : vector<512x8000xf32>
    %jit3A_145 = arith.constant -3.276800e+04 : f32
    %jit3A_146 = arith.constant 3.276700e+04 : f32
    %max3A_147 = vector.broadcast %jit3A_145 : f32 to vector<512x8000xf32>
    %max3A_148 = arith.maximumf %max3A_147, %mul3A_144 : vector<512x8000xf32>
    %min3A = vector.broadcast %jit3A_146 : f32 to vector<512x8000xf32>
    %min3A_149 = arith.minimumf %min3A, %max3A_148 : vector<512x8000xf32>
    %convert_element_type3A_150 = arith.fptosi %min3A_149 : vector<512x8000xf32> to vector<512x8000xi16>
    %broadcast_in_dim3A_151 = arith.constant -32768 : i16
    %broadcast_in_dim3A_152 = vector.broadcast %broadcast_in_dim3A_151 : i16 to vector<512x64xi16>
    %concatenate3A = tpu.concatenate %convert_element_type3A_150, %broadcast_in_dim3A_152 in 1 : vector<512x8000xi16>, vector<512x64xi16> -> vector<512x8064xi16>
    %broadcast_in_dim3A_153 = arith.constant 1 : i16
    %broadcast_in_dim3A_154 = vector.broadcast %broadcast_in_dim3A_153 : i16 to vector<1x1xi16>
    %broadcast_in_dim3A_155 = arith.constant 0 : i16
    %broadcast_in_dim3A_156 = vector.broadcast %broadcast_in_dim3A_155 : i16 to vector<1x1xi16>
    %broadcast_in_dim3A_157 = arith.constant -32768 : i32
    %broadcast_in_dim3A_158 = vector.broadcast %broadcast_in_dim3A_157 : i32 to vector<512x1xi32>
    %broadcast_in_dim3A_159 = arith.constant 32767 : i32
    %broadcast_in_dim3A_160 = vector.broadcast %broadcast_in_dim3A_159 : i32 to vector<512x1xi32>
    %broadcast_in_dim3A_161 = arith.constant 0.000000e+00 : f32
    %broadcast_in_dim3A_162 = vector.broadcast %broadcast_in_dim3A_161 : f32 to vector<512x1xf32>
    %scan3A = arith.constant 5.000000e+01 : f32
    %scan3A_163 = arith.constant 0 : i32
    %scan3A_164 = arith.constant 13 : i32
    %scan3A_165 = arith.addi %scan3A_163, %scan3A_164 : i32
    %scan3A_166 = arith.constant 1 : i32
    %scan3A_167:3 = scf.for %scan3A_243 = %scan3A_163 to %scan3A_165 step %scan3A_166 iter_args(%scan3A_244 = %broadcast_in_dim3A_158, %scan3A_245 = %broadcast_in_dim3A_160, %scan3A_246 = %broadcast_in_dim3A_162) -> (vector<512x1xi32>, vector<512x1xi32>, vector<512x1xf32>)  : i32 {
      %add3A_247 = arith.addi %scan3A_244, %scan3A_245 : vector<512x1xi32>
      %shift_right_arithmetic3A = arith.constant 1 : i32
      %shift_right_arithmetic3A_248 = vector.broadcast %shift_right_arithmetic3A : i32 to vector<512x1xi32>
      %shift_right_arithmetic3A_249 = arith.shrsi %add3A_247, %shift_right_arithmetic3A_248 : vector<512x1xi32>
      %convert_element_type3A_250 = arith.trunci %shift_right_arithmetic3A_249 : vector<512x1xi32> to vector<512x1xi16>
      %broadcast_in_dim3A_251 = arith.constant 0 : i16
      %broadcast_in_dim3A_252 = vector.broadcast %broadcast_in_dim3A_251 : i16 to vector<512x128xi16>
      %slice3A = vector.extract_strided_slice %concatenate3A {offsets = [0, 0], sizes = [512, 128], strides = [1, 1]} : vector<512x8064xi16> to vector<512x128xi16>
      %gt3A_253 = vector.broadcast %convert_element_type3A_250 : vector<512x1xi16> to vector<512x128xi16>
      %gt3A_254 = arith.cmpi sgt, %slice3A, %gt3A_253 : vector<512x128xi16>
      %broadcast_in_dim3A_255 = vector.shape_cast %broadcast_in_dim3A_154 : vector<1x1xi16> to vector<1x1xi16>
      %broadcast_in_dim3A_256 = vector.broadcast %broadcast_in_dim3A_255 : vector<1x1xi16> to vector<512x128xi16>
      %broadcast_in_dim3A_257 = vector.shape_cast %broadcast_in_dim3A_156 : vector<1x1xi16> to vector<1x1xi16>
      %broadcast_in_dim3A_258 = vector.broadcast %broadcast_in_dim3A_257 : vector<1x1xi16> to vector<512x128xi16>
      %select_n3A_259 = arith.select %gt3A_254, %broadcast_in_dim3A_256, %broadcast_in_dim3A_258 : vector<512x128xi1>, vector<512x128xi16>
      %add3A_260 = arith.addi %broadcast_in_dim3A_252, %select_n3A_259 : vector<512x128xi16>
      %slice3A_261 = vector.extract_strided_slice %concatenate3A {offsets = [0, 128], sizes = [512, 128], strides = [1, 1]} : vector<512x8064xi16> to vector<512x128xi16>
      %gt3A_262 = vector.broadcast %convert_element_type3A_250 : vector<512x1xi16> to vector<512x128xi16>
      %gt3A_263 = arith.cmpi sgt, %slice3A_261, %gt3A_262 : vector<512x128xi16>
      %broadcast_in_dim3A_264 = vector.shape_cast %broadcast_in_dim3A_154 : vector<1x1xi16> to vector<1x1xi16>
      %broadcast_in_dim3A_265 = vector.broadcast %broadcast_in_dim3A_264 : vector<1x1xi16> to vector<512x128xi16>
      %broadcast_in_dim3A_266 = vector.shape_cast %broadcast_in_dim3A_156 : vector<1x1xi16> to vector<1x1xi16>
      %broadcast_in_dim3A_267 = vector.broadcast %broadcast_in_dim3A_266 : vector<1x1xi16> to vector<512x128xi16>
      %select_n3A_268 = arith.select %gt3A_263, %broadcast_in_dim3A_265, %broadcast_in_dim3A_267 : vector<512x128xi1>, vector<512x128xi16>
      %add3A_269 = arith.addi %add3A_260, %select_n3A_268 : vector<512x128xi16>
      %slice3A_270 = vector.extract_strided_slice %concatenate3A {offsets = [0, 256], sizes = [512, 128], strides = [1, 1]} : vector<512x8064xi16> to vector<512x128xi16>
      %gt3A_271 = vector.broadcast %convert_element_type3A_250 : vector<512x1xi16> to vector<512x128xi16>
      %gt3A_272 = arith.cmpi sgt, %slice3A_270, %gt3A_271 : vector<512x128xi16>
      %broadcast_in_dim3A_273 = vector.shape_cast %broadcast_in_dim3A_154 : vector<1x1xi16> to vector<1x1xi16>
      %broadcast_in_dim3A_274 = vector.broadcast %broadcast_in_dim3A_273 : vector<1x1xi16> to vector<512x128xi16>
      %broadcast_in_dim3A_275 = vector.shape_cast %broadcast_in_dim3A_156 : vector<1x1xi16> to vector<1x1xi16>
      %broadcast_in_dim3A_276 = vector.broadcast %broadcast_in_dim3A_275 : vector<1x1xi16> to vector<512x128xi16>
      %select_n3A_277 = arith.select %gt3A_272, %broadcast_in_dim3A_274, %broadcast_in_dim3A_276 : vector<512x128xi1>, vector<512x128xi16>
      %add3A_278 = arith.addi %add3A_269, %select_n3A_277 : vector<512x128xi16>
      %slice3A_279 = vector.extract_strided_slice %concatenate3A {offsets = [0, 384], sizes = [512, 128], strides = [1, 1]} : vector<512x8064xi16> to vector<512x128xi16>
      %gt3A_280 = vector.broadcast %convert_element_type3A_250 : vector<512x1xi16> to vector<512x128xi16>
      %gt3A_281 = arith.cmpi sgt, %slice3A_279, %gt3A_280 : vector<512x128xi16>
      %broadcast_in_dim3A_282 = vector.shape_cast %broadcast_in_dim3A_154 : vector<1x1xi16> to vector<1x1xi16>
      %broadcast_in_dim3A_283 = vector.broadcast %broadcast_in_dim3A_282 : vector<1x1xi16> to vector<512x128xi16>
      %broadcast_in_dim3A_284 = vector.shape_cast %broadcast_in_dim3A_156 : vector<1x1xi16> to vector<1x1xi16>
      %broadcast_in_dim3A_285 = vector.broadcast %broadcast_in_dim3A_284 : vector<1x1xi16> to vector<512x128xi16>
      %select_n3A_286 = arith.select %gt3A_281, %broadcast_in_dim3A_283, %broadcast_in_dim3A_285 : vector<512x128xi1>, vector<512x128xi16>
      %add3A_287 = arith.addi %add3A_278, %select_n3A_286 : vector<512x128xi16>
      %slice3A_288 = vector.extract_strided_slice %concatenate3A {offsets = [0, 512], sizes = [512, 128], strides = [1, 1]} : vector<512x8064xi16> to vector<512x128xi16>
      %gt3A_289 = vector.broadcast %convert_element_type3A_250 : vector<512x1xi16> to vector<512x128xi16>
      %gt3A_290 = arith.cmpi sgt, %slice3A_288, %gt3A_289 : vector<512x128xi16>
      %broadcast_in_dim3A_291 = vector.shape_cast %broadcast_in_dim3A_154 : vector<1x1xi16> to vector<1x1xi16>
      %broadcast_in_dim3A_292 = vector.broadcast %broadcast_in_dim3A_291 : vector<1x1xi16> to vector<512x128xi16>
      %broadcast_in_dim3A_293 = vector.shape_cast %broadcast_in_dim3A_156 : vector<1x1xi16> to vector<1x1xi16>
      %broadcast_in_dim3A_294 = vector.broadcast %broadcast_in_dim3A_293 : vector<1x1xi16> to vector<512x128xi16>
      %select_n3A_295 = arith.select %gt3A_290, %broadcast_in_dim3A_292, %broadcast_in_dim3A_294 : vector<512x128xi1>, vector<512x128xi16>
      %add3A_296 = arith.addi %add3A_287, %select_n3A_295 : vector<512x128xi16>
      %slice3A_297 = vector.extract_strided_slice %concatenate3A {offsets = [0, 640], sizes = [512, 128], strides = [1, 1]} : vector<512x8064xi16> to vector<512x128xi16>
      %gt3A_298 = vector.broadcast %convert_element_type3A_250 : vector<512x1xi16> to vector<512x128xi16>
      %gt3A_299 = arith.cmpi sgt, %slice3A_297, %gt3A_298 : vector<512x128xi16>
      %broadcast_in_dim3A_300 = vector.shape_cast %broadcast_in_dim3A_154 : vector<1x1xi16> to vector<1x1xi16>
      %broadcast_in_dim3A_301 = vector.broadcast %broadcast_in_dim3A_300 : vector<1x1xi16> to vector<512x128xi16>
      %broadcast_in_dim3A_302 = vector.shape_cast %broadcast_in_dim3A_156 : vector<1x1xi16> to vector<1x1xi16>
      %broadcast_in_dim3A_303 = vector.broadcast %broadcast_in_dim3A_302 : vector<1x1xi16> to vector<512x128xi16>
      %select_n3A_304 = arith.select %gt3A_299, %broadcast_in_dim3A_301, %broadcast_in_dim3A_303 : vector<512x128xi1>, vector<512x128xi16>
      %add3A_305 = arith.addi %add3A_296, %select_n3A_304 : vector<512x128xi16>
      %slice3A_306 = vector.extract_strided_slice %concatenate3A {offsets = [0, 768], sizes = [512, 128], strides = [1, 1]} : vector<512x8064xi16> to vector<512x128xi16>
      %gt3A_307 = vector.broadcast %convert_element_type3A_250 : vector<512x1xi16> to vector<512x128xi16>
      %gt3A_308 = arith.cmpi sgt, %slice3A_306, %gt3A_307 : vector<512x128xi16>
      %broadcast_in_dim3A_309 = vector.shape_cast %broadcast_in_dim3A_154 : vector<1x1xi16> to vector<1x1xi16>
      %broadcast_in_dim3A_310 = vector.broadcast %broadcast_in_dim3A_309 : vector<1x1xi16> to vector<512x128xi16>
      %broadcast_in_dim3A_311 = vector.shape_cast %broadcast_in_dim3A_156 : vector<1x1xi16> to vector<1x1xi16>
      %broadcast_in_dim3A_312 = vector.broadcast %broadcast_in_dim3A_311 : vector<1x1xi16> to vector<512x128xi16>
      %select_n3A_313 = arith.select %gt3A_308, %broadcast_in_dim3A_310, %broadcast_in_dim3A_312 : vector<512x128xi1>, vector<512x128xi16>
      %add3A_314 = arith.addi %add3A_305, %select_n3A_313 : vector<512x128xi16>
      %slice3A_315 = vector.extract_strided_slice %concatenate3A {offsets = [0, 896], sizes = [512, 128], strides = [1, 1]} : vector<512x8064xi16> to vector<512x128xi16>
      %gt3A_316 = vector.broadcast %convert_element_type3A_250 : vector<512x1xi16> to vector<512x128xi16>
      %gt3A_317 = arith.cmpi sgt, %slice3A_315, %gt3A_316 : vector<512x128xi16>
      %broadcast_in_dim3A_318 = vector.shape_cast %broadcast_in_dim3A_154 : vector<1x1xi16> to vector<1x1xi16>
      %broadcast_in_dim3A_319 = vector.broadcast %broadcast_in_dim3A_318 : vector<1x1xi16> to vector<512x128xi16>
      %broadcast_in_dim3A_320 = vector.shape_cast %broadcast_in_dim3A_156 : vector<1x1xi16> to vector<1x1xi16>
      %broadcast_in_dim3A_321 = vector.broadcast %broadcast_in_dim3A_320 : vector<1x1xi16> to vector<512x128xi16>
      %select_n3A_322 = arith.select %gt3A_317, %broadcast_in_dim3A_319, %broadcast_in_dim3A_321 : vector<512x128xi1>, vector<512x128xi16>
      %add3A_323 = arith.addi %add3A_314, %select_n3A_322 : vector<512x128xi16>
      %slice3A_324 = vector.extract_strided_slice %concatenate3A {offsets = [0, 1024], sizes = [512, 128], strides = [1, 1]} : vector<512x8064xi16> to vector<512x128xi16>
      %gt3A_325 = vector.broadcast %convert_element_type3A_250 : vector<512x1xi16> to vector<512x128xi16>
      %gt3A_326 = arith.cmpi sgt, %slice3A_324, %gt3A_325 : vector<512x128xi16>
      %broadcast_in_dim3A_327 = vector.shape_cast %broadcast_in_dim3A_154 : vector<1x1xi16> to vector<1x1xi16>
      %broadcast_in_dim3A_328 = vector.broadcast %broadcast_in_dim3A_327 : vector<1x1xi16> to vector<512x128xi16>
      %broadcast_in_dim3A_329 = vector.shape_cast %broadcast_in_dim3A_156 : vector<1x1xi16> to vector<1x1xi16>
      %broadcast_in_dim3A_330 = vector.broadcast %broadcast_in_dim3A_329 : vector<1x1xi16> to vector<512x128xi16>
      %select_n3A_331 = arith.select %gt3A_326, %broadcast_in_dim3A_328, %broadcast_in_dim3A_330 : vector<512x128xi1>, vector<512x128xi16>
      %add3A_332 = arith.addi %add3A_323, %select_n3A_331 : vector<512x128xi16>
      %slice3A_333 = vector.extract_strided_slice %concatenate3A {offsets = [0, 1152], sizes = [512, 128], strides = [1, 1]} : vector<512x8064xi16> to vector<512x128xi16>
      %gt3A_334 = vector.broadcast %convert_element_type3A_250 : vector<512x1xi16> to vector<512x128xi16>
      %gt3A_335 = arith.cmpi sgt, %slice3A_333, %gt3A_334 : vector<512x128xi16>
      %broadcast_in_dim3A_336 = vector.shape_cast %broadcast_in_dim3A_154 : vector<1x1xi16> to vector<1x1xi16>
      %broadcast_in_dim3A_337 = vector.broadcast %broadcast_in_dim3A_336 : vector<1x1xi16> to vector<512x128xi16>
      %broadcast_in_dim3A_338 = vector.shape_cast %broadcast_in_dim3A_156 : vector<1x1xi16> to vector<1x1xi16>
      %broadcast_in_dim3A_339 = vector.broadcast %broadcast_in_dim3A_338 : vector<1x1xi16> to vector<512x128xi16>
      %select_n3A_340 = arith.select %gt3A_335, %broadcast_in_dim3A_337, %broadcast_in_dim3A_339 : vector<512x128xi1>, vector<512x128xi16>
      %add3A_341 = arith.addi %add3A_332, %select_n3A_340 : vector<512x128xi16>
      %slice3A_342 = vector.extract_strided_slice %concatenate3A {offsets = [0, 1280], sizes = [512, 128], strides = [1, 1]} : vector<512x8064xi16> to vector<512x128xi16>
      %gt3A_343 = vector.broadcast %convert_element_type3A_250 : vector<512x1xi16> to vector<512x128xi16>
      %gt3A_344 = arith.cmpi sgt, %slice3A_342, %gt3A_343 : vector<512x128xi16>
      %broadcast_in_dim3A_345 = vector.shape_cast %broadcast_in_dim3A_154 : vector<1x1xi16> to vector<1x1xi16>
      %broadcast_in_dim3A_346 = vector.broadcast %broadcast_in_dim3A_345 : vector<1x1xi16> to vector<512x128xi16>
      %broadcast_in_dim3A_347 = vector.shape_cast %broadcast_in_dim3A_156 : vector<1x1xi16> to vector<1x1xi16>
      %broadcast_in_dim3A_348 = vector.broadcast %broadcast_in_dim3A_347 : vector<1x1xi16> to vector<512x128xi16>
      %select_n3A_349 = arith.select %gt3A_344, %broadcast_in_dim3A_346, %broadcast_in_dim3A_348 : vector<512x128xi1>, vector<512x128xi16>
      %add3A_350 = arith.addi %add3A_341, %select_n3A_349 : vector<512x128xi16>
      %slice3A_351 = vector.extract_strided_slice %concatenate3A {offsets = [0, 1408], sizes = [512, 128], strides = [1, 1]} : vector<512x8064xi16> to vector<512x128xi16>
      %gt3A_352 = vector.broadcast %convert_element_type3A_250 : vector<512x1xi16> to vector<512x128xi16>
      %gt3A_353 = arith.cmpi sgt, %slice3A_351, %gt3A_352 : vector<512x128xi16>
      %broadcast_in_dim3A_354 = vector.shape_cast %broadcast_in_dim3A_154 : vector<1x1xi16> to vector<1x1xi16>
      %broadcast_in_dim3A_355 = vector.broadcast %broadcast_in_dim3A_354 : vector<1x1xi16> to vector<512x128xi16>
      %broadcast_in_dim3A_356 = vector.shape_cast %broadcast_in_dim3A_156 : vector<1x1xi16> to vector<1x1xi16>
      %broadcast_in_dim3A_357 = vector.broadcast %broadcast_in_dim3A_356 : vector<1x1xi16> to vector<512x128xi16>
      %select_n3A_358 = arith.select %gt3A_353, %broadcast_in_dim3A_355, %broadcast_in_dim3A_357 : vector<512x128xi1>, vector<512x128xi16>
      %add3A_359 = arith.addi %add3A_350, %select_n3A_358 : vector<512x128xi16>
      %slice3A_360 = vector.extract_strided_slice %concatenate3A {offsets = [0, 1536], sizes = [512, 128], strides = [1, 1]} : vector<512x8064xi16> to vector<512x128xi16>
      %gt3A_361 = vector.broadcast %convert_element_type3A_250 : vector<512x1xi16> to vector<512x128xi16>
      %gt3A_362 = arith.cmpi sgt, %slice3A_360, %gt3A_361 : vector<512x128xi16>
      %broadcast_in_dim3A_363 = vector.shape_cast %broadcast_in_dim3A_154 : vector<1x1xi16> to vector<1x1xi16>
      %broadcast_in_dim3A_364 = vector.broadcast %broadcast_in_dim3A_363 : vector<1x1xi16> to vector<512x128xi16>
      %broadcast_in_dim3A_365 = vector.shape_cast %broadcast_in_dim3A_156 : vector<1x1xi16> to vector<1x1xi16>
      %broadcast_in_dim3A_366 = vector.broadcast %broadcast_in_dim3A_365 : vector<1x1xi16> to vector<512x128xi16>
      %select_n3A_367 = arith.select %gt3A_362, %broadcast_in_dim3A_364, %broadcast_in_dim3A_366 : vector<512x128xi1>, vector<512x128xi16>
      %add3A_368 = arith.addi %add3A_359, %select_n3A_367 : vector<512x128xi16>
      %slice3A_369 = vector.extract_strided_slice %concatenate3A {offsets = [0, 1664], sizes = [512, 128], strides = [1, 1]} : vector<512x8064xi16> to vector<512x128xi16>
      %gt3A_370 = vector.broadcast %convert_element_type3A_250 : vector<512x1xi16> to vector<512x128xi16>
      %gt3A_371 = arith.cmpi sgt, %slice3A_369, %gt3A_370 : vector<512x128xi16>
      %broadcast_in_dim3A_372 = vector.shape_cast %broadcast_in_dim3A_154 : vector<1x1xi16> to vector<1x1xi16>
      %broadcast_in_dim3A_373 = vector.broadcast %broadcast_in_dim3A_372 : vector<1x1xi16> to vector<512x128xi16>
      %broadcast_in_dim3A_374 = vector.shape_cast %broadcast_in_dim3A_156 : vector<1x1xi16> to vector<1x1xi16>
      %broadcast_in_dim3A_375 = vector.broadcast %broadcast_in_dim3A_374 : vector<1x1xi16> to vector<512x128xi16>
      %select_n3A_376 = arith.select %gt3A_371, %broadcast_in_dim3A_373, %broadcast_in_dim3A_375 : vector<512x128xi1>, vector<512x128xi16>
      %add3A_377 = arith.addi %add3A_368, %select_n3A_376 : vector<512x128xi16>
      %slice3A_378 = vector.extract_strided_slice %concatenate3A {offsets = [0, 1792], sizes = [512, 128], strides = [1, 1]} : vector<512x8064xi16> to vector<512x128xi16>
      %gt3A_379 = vector.broadcast %convert_element_type3A_250 : vector<512x1xi16> to vector<512x128xi16>
      %gt3A_380 = arith.cmpi sgt, %slice3A_378, %gt3A_379 : vector<512x128xi16>
      %broadcast_in_dim3A_381 = vector.shape_cast %broadcast_in_dim3A_154 : vector<1x1xi16> to vector<1x1xi16>
      %broadcast_in_dim3A_382 = vector.broadcast %broadcast_in_dim3A_381 : vector<1x1xi16> to vector<512x128xi16>
      %broadcast_in_dim3A_383 = vector.shape_cast %broadcast_in_dim3A_156 : vector<1x1xi16> to vector<1x1xi16>
      %broadcast_in_dim3A_384 = vector.broadcast %broadcast_in_dim3A_383 : vector<1x1xi16> to vector<512x128xi16>
      %select_n3A_385 = arith.select %gt3A_380, %broadcast_in_dim3A_382, %broadcast_in_dim3A_384 : vector<512x128xi1>, vector<512x128xi16>
      %add3A_386 = arith.addi %add3A_377, %select_n3A_385 : vector<512x128xi16>
      %slice3A_387 = vector.extract_strided_slice %concatenate3A {offsets = [0, 1920], sizes = [512, 128], strides = [1, 1]} : vector<512x8064xi16> to vector<512x128xi16>
      %gt3A_388 = vector.broadcast %convert_element_type3A_250 : vector<512x1xi16> to vector<512x128xi16>
      %gt3A_389 = arith.cmpi sgt, %slice3A_387, %gt3A_388 : vector<512x128xi16>
      %broadcast_in_dim3A_390 = vector.shape_cast %broadcast_in_dim3A_154 : vector<1x1xi16> to vector<1x1xi16>
      %broadcast_in_dim3A_391 = vector.broadcast %broadcast_in_dim3A_390 : vector<1x1xi16> to vector<512x128xi16>
      %broadcast_in_dim3A_392 = vector.shape_cast %broadcast_in_dim3A_156 : vector<1x1xi16> to vector<1x1xi16>
      %broadcast_in_dim3A_393 = vector.broadcast %broadcast_in_dim3A_392 : vector<1x1xi16> to vector<512x128xi16>
      %select_n3A_394 = arith.select %gt3A_389, %broadcast_in_dim3A_391, %broadcast_in_dim3A_393 : vector<512x128xi1>, vector<512x128xi16>
      %add3A_395 = arith.addi %add3A_386, %select_n3A_394 : vector<512x128xi16>
      %slice3A_396 = vector.extract_strided_slice %concatenate3A {offsets = [0, 2048], sizes = [512, 128], strides = [1, 1]} : vector<512x8064xi16> to vector<512x128xi16>
      %gt3A_397 = vector.broadcast %convert_element_type3A_250 : vector<512x1xi16> to vector<512x128xi16>
      %gt3A_398 = arith.cmpi sgt, %slice3A_396, %gt3A_397 : vector<512x128xi16>
      %broadcast_in_dim3A_399 = vector.shape_cast %broadcast_in_dim3A_154 : vector<1x1xi16> to vector<1x1xi16>
      %broadcast_in_dim3A_400 = vector.broadcast %broadcast_in_dim3A_399 : vector<1x1xi16> to vector<512x128xi16>
      %broadcast_in_dim3A_401 = vector.shape_cast %broadcast_in_dim3A_156 : vector<1x1xi16> to vector<1x1xi16>
      %broadcast_in_dim3A_402 = vector.broadcast %broadcast_in_dim3A_401 : vector<1x1xi16> to vector<512x128xi16>
      %select_n3A_403 = arith.select %gt3A_398, %broadcast_in_dim3A_400, %broadcast_in_dim3A_402 : vector<512x128xi1>, vector<512x128xi16>
      %add3A_404 = arith.addi %add3A_395, %select_n3A_403 : vector<512x128xi16>
      %slice3A_405 = vector.extract_strided_slice %concatenate3A {offsets = [0, 2176], sizes = [512, 128], strides = [1, 1]} : vector<512x8064xi16> to vector<512x128xi16>
      %gt3A_406 = vector.broadcast %convert_element_type3A_250 : vector<512x1xi16> to vector<512x128xi16>
      %gt3A_407 = arith.cmpi sgt, %slice3A_405, %gt3A_406 : vector<512x128xi16>
      %broadcast_in_dim3A_408 = vector.shape_cast %broadcast_in_dim3A_154 : vector<1x1xi16> to vector<1x1xi16>
      %broadcast_in_dim3A_409 = vector.broadcast %broadcast_in_dim3A_408 : vector<1x1xi16> to vector<512x128xi16>
      %broadcast_in_dim3A_410 = vector.shape_cast %broadcast_in_dim3A_156 : vector<1x1xi16> to vector<1x1xi16>
      %broadcast_in_dim3A_411 = vector.broadcast %broadcast_in_dim3A_410 : vector<1x1xi16> to vector<512x128xi16>
      %select_n3A_412 = arith.select %gt3A_407, %broadcast_in_dim3A_409, %broadcast_in_dim3A_411 : vector<512x128xi1>, vector<512x128xi16>
      %add3A_413 = arith.addi %add3A_404, %select_n3A_412 : vector<512x128xi16>
      %slice3A_414 = vector.extract_strided_slice %concatenate3A {offsets = [0, 2304], sizes = [512, 128], strides = [1, 1]} : vector<512x8064xi16> to vector<512x128xi16>
      %gt3A_415 = vector.broadcast %convert_element_type3A_250 : vector<512x1xi16> to vector<512x128xi16>
      %gt3A_416 = arith.cmpi sgt, %slice3A_414, %gt3A_415 : vector<512x128xi16>
      %broadcast_in_dim3A_417 = vector.shape_cast %broadcast_in_dim3A_154 : vector<1x1xi16> to vector<1x1xi16>
      %broadcast_in_dim3A_418 = vector.broadcast %broadcast_in_dim3A_417 : vector<1x1xi16> to vector<512x128xi16>
      %broadcast_in_dim3A_419 = vector.shape_cast %broadcast_in_dim3A_156 : vector<1x1xi16> to vector<1x1xi16>
      %broadcast_in_dim3A_420 = vector.broadcast %broadcast_in_dim3A_419 : vector<1x1xi16> to vector<512x128xi16>
      %select_n3A_421 = arith.select %gt3A_416, %broadcast_in_dim3A_418, %broadcast_in_dim3A_420 : vector<512x128xi1>, vector<512x128xi16>
      %add3A_422 = arith.addi %add3A_413, %select_n3A_421 : vector<512x128xi16>
      %slice3A_423 = vector.extract_strided_slice %concatenate3A {offsets = [0, 2432], sizes = [512, 128], strides = [1, 1]} : vector<512x8064xi16> to vector<512x128xi16>
      %gt3A_424 = vector.broadcast %convert_element_type3A_250 : vector<512x1xi16> to vector<512x128xi16>
      %gt3A_425 = arith.cmpi sgt, %slice3A_423, %gt3A_424 : vector<512x128xi16>
      %broadcast_in_dim3A_426 = vector.shape_cast %broadcast_in_dim3A_154 : vector<1x1xi16> to vector<1x1xi16>
      %broadcast_in_dim3A_427 = vector.broadcast %broadcast_in_dim3A_426 : vector<1x1xi16> to vector<512x128xi16>
      %broadcast_in_dim3A_428 = vector.shape_cast %broadcast_in_dim3A_156 : vector<1x1xi16> to vector<1x1xi16>
      %broadcast_in_dim3A_429 = vector.broadcast %broadcast_in_dim3A_428 : vector<1x1xi16> to vector<512x128xi16>
      %select_n3A_430 = arith.select %gt3A_425, %broadcast_in_dim3A_427, %broadcast_in_dim3A_429 : vector<512x128xi1>, vector<512x128xi16>
      %add3A_431 = arith.addi %add3A_422, %select_n3A_430 : vector<512x128xi16>
      %slice3A_432 = vector.extract_strided_slice %concatenate3A {offsets = [0, 2560], sizes = [512, 128], strides = [1, 1]} : vector<512x8064xi16> to vector<512x128xi16>
      %gt3A_433 = vector.broadcast %convert_element_type3A_250 : vector<512x1xi16> to vector<512x128xi16>
      %gt3A_434 = arith.cmpi sgt, %slice3A_432, %gt3A_433 : vector<512x128xi16>
      %broadcast_in_dim3A_435 = vector.shape_cast %broadcast_in_dim3A_154 : vector<1x1xi16> to vector<1x1xi16>
      %broadcast_in_dim3A_436 = vector.broadcast %broadcast_in_dim3A_435 : vector<1x1xi16> to vector<512x128xi16>
      %broadcast_in_dim3A_437 = vector.shape_cast %broadcast_in_dim3A_156 : vector<1x1xi16> to vector<1x1xi16>
      %broadcast_in_dim3A_438 = vector.broadcast %broadcast_in_dim3A_437 : vector<1x1xi16> to vector<512x128xi16>
      %select_n3A_439 = arith.select %gt3A_434, %broadcast_in_dim3A_436, %broadcast_in_dim3A_438 : vector<512x128xi1>, vector<512x128xi16>
      %add3A_440 = arith.addi %add3A_431, %select_n3A_439 : vector<512x128xi16>
      %slice3A_441 = vector.extract_strided_slice %concatenate3A {offsets = [0, 2688], sizes = [512, 128], strides = [1, 1]} : vector<512x8064xi16> to vector<512x128xi16>
      %gt3A_442 = vector.broadcast %convert_element_type3A_250 : vector<512x1xi16> to vector<512x128xi16>
      %gt3A_443 = arith.cmpi sgt, %slice3A_441, %gt3A_442 : vector<512x128xi16>
      %broadcast_in_dim3A_444 = vector.shape_cast %broadcast_in_dim3A_154 : vector<1x1xi16> to vector<1x1xi16>
      %broadcast_in_dim3A_445 = vector.broadcast %broadcast_in_dim3A_444 : vector<1x1xi16> to vector<512x128xi16>
      %broadcast_in_dim3A_446 = vector.shape_cast %broadcast_in_dim3A_156 : vector<1x1xi16> to vector<1x1xi16>
      %broadcast_in_dim3A_447 = vector.broadcast %broadcast_in_dim3A_446 : vector<1x1xi16> to vector<512x128xi16>
      %select_n3A_448 = arith.select %gt3A_443, %broadcast_in_dim3A_445, %broadcast_in_dim3A_447 : vector<512x128xi1>, vector<512x128xi16>
      %add3A_449 = arith.addi %add3A_440, %select_n3A_448 : vector<512x128xi16>
      %slice3A_450 = vector.extract_strided_slice %concatenate3A {offsets = [0, 2816], sizes = [512, 128], strides = [1, 1]} : vector<512x8064xi16> to vector<512x128xi16>
      %gt3A_451 = vector.broadcast %convert_element_type3A_250 : vector<512x1xi16> to vector<512x128xi16>
      %gt3A_452 = arith.cmpi sgt, %slice3A_450, %gt3A_451 : vector<512x128xi16>
      %broadcast_in_dim3A_453 = vector.shape_cast %broadcast_in_dim3A_154 : vector<1x1xi16> to vector<1x1xi16>
      %broadcast_in_dim3A_454 = vector.broadcast %broadcast_in_dim3A_453 : vector<1x1xi16> to vector<512x128xi16>
      %broadcast_in_dim3A_455 = vector.shape_cast %broadcast_in_dim3A_156 : vector<1x1xi16> to vector<1x1xi16>
      %broadcast_in_dim3A_456 = vector.broadcast %broadcast_in_dim3A_455 : vector<1x1xi16> to vector<512x128xi16>
      %select_n3A_457 = arith.select %gt3A_452, %broadcast_in_dim3A_454, %broadcast_in_dim3A_456 : vector<512x128xi1>, vector<512x128xi16>
      %add3A_458 = arith.addi %add3A_449, %select_n3A_457 : vector<512x128xi16>
      %slice3A_459 = vector.extract_strided_slice %concatenate3A {offsets = [0, 2944], sizes = [512, 128], strides = [1, 1]} : vector<512x8064xi16> to vector<512x128xi16>
      %gt3A_460 = vector.broadcast %convert_element_type3A_250 : vector<512x1xi16> to vector<512x128xi16>
      %gt3A_461 = arith.cmpi sgt, %slice3A_459, %gt3A_460 : vector<512x128xi16>
      %broadcast_in_dim3A_462 = vector.shape_cast %broadcast_in_dim3A_154 : vector<1x1xi16> to vector<1x1xi16>
      %broadcast_in_dim3A_463 = vector.broadcast %broadcast_in_dim3A_462 : vector<1x1xi16> to vector<512x128xi16>
      %broadcast_in_dim3A_464 = vector.shape_cast %broadcast_in_dim3A_156 : vector<1x1xi16> to vector<1x1xi16>
      %broadcast_in_dim3A_465 = vector.broadcast %broadcast_in_dim3A_464 : vector<1x1xi16> to vector<512x128xi16>
      %select_n3A_466 = arith.select %gt3A_461, %broadcast_in_dim3A_463, %broadcast_in_dim3A_465 : vector<512x128xi1>, vector<512x128xi16>
      %add3A_467 = arith.addi %add3A_458, %select_n3A_466 : vector<512x128xi16>
      %slice3A_468 = vector.extract_strided_slice %concatenate3A {offsets = [0, 3072], sizes = [512, 128], strides = [1, 1]} : vector<512x8064xi16> to vector<512x128xi16>
      %gt3A_469 = vector.broadcast %convert_element_type3A_250 : vector<512x1xi16> to vector<512x128xi16>
      %gt3A_470 = arith.cmpi sgt, %slice3A_468, %gt3A_469 : vector<512x128xi16>
      %broadcast_in_dim3A_471 = vector.shape_cast %broadcast_in_dim3A_154 : vector<1x1xi16> to vector<1x1xi16>
      %broadcast_in_dim3A_472 = vector.broadcast %broadcast_in_dim3A_471 : vector<1x1xi16> to vector<512x128xi16>
      %broadcast_in_dim3A_473 = vector.shape_cast %broadcast_in_dim3A_156 : vector<1x1xi16> to vector<1x1xi16>
      %broadcast_in_dim3A_474 = vector.broadcast %broadcast_in_dim3A_473 : vector<1x1xi16> to vector<512x128xi16>
      %select_n3A_475 = arith.select %gt3A_470, %broadcast_in_dim3A_472, %broadcast_in_dim3A_474 : vector<512x128xi1>, vector<512x128xi16>
      %add3A_476 = arith.addi %add3A_467, %select_n3A_475 : vector<512x128xi16>
      %slice3A_477 = vector.extract_strided_slice %concatenate3A {offsets = [0, 3200], sizes = [512, 128], strides = [1, 1]} : vector<512x8064xi16> to vector<512x128xi16>
      %gt3A_478 = vector.broadcast %convert_element_type3A_250 : vector<512x1xi16> to vector<512x128xi16>
      %gt3A_479 = arith.cmpi sgt, %slice3A_477, %gt3A_478 : vector<512x128xi16>
      %broadcast_in_dim3A_480 = vector.shape_cast %broadcast_in_dim3A_154 : vector<1x1xi16> to vector<1x1xi16>
      %broadcast_in_dim3A_481 = vector.broadcast %broadcast_in_dim3A_480 : vector<1x1xi16> to vector<512x128xi16>
      %broadcast_in_dim3A_482 = vector.shape_cast %broadcast_in_dim3A_156 : vector<1x1xi16> to vector<1x1xi16>
      %broadcast_in_dim3A_483 = vector.broadcast %broadcast_in_dim3A_482 : vector<1x1xi16> to vector<512x128xi16>
      %select_n3A_484 = arith.select %gt3A_479, %broadcast_in_dim3A_481, %broadcast_in_dim3A_483 : vector<512x128xi1>, vector<512x128xi16>
      %add3A_485 = arith.addi %add3A_476, %select_n3A_484 : vector<512x128xi16>
      %slice3A_486 = vector.extract_strided_slice %concatenate3A {offsets = [0, 3328], sizes = [512, 128], strides = [1, 1]} : vector<512x8064xi16> to vector<512x128xi16>
      %gt3A_487 = vector.broadcast %convert_element_type3A_250 : vector<512x1xi16> to vector<512x128xi16>
      %gt3A_488 = arith.cmpi sgt, %slice3A_486, %gt3A_487 : vector<512x128xi16>
      %broadcast_in_dim3A_489 = vector.shape_cast %broadcast_in_dim3A_154 : vector<1x1xi16> to vector<1x1xi16>
      %broadcast_in_dim3A_490 = vector.broadcast %broadcast_in_dim3A_489 : vector<1x1xi16> to vector<512x128xi16>
      %broadcast_in_dim3A_491 = vector.shape_cast %broadcast_in_dim3A_156 : vector<1x1xi16> to vector<1x1xi16>
      %broadcast_in_dim3A_492 = vector.broadcast %broadcast_in_dim3A_491 : vector<1x1xi16> to vector<512x128xi16>
      %select_n3A_493 = arith.select %gt3A_488, %broadcast_in_dim3A_490, %broadcast_in_dim3A_492 : vector<512x128xi1>, vector<512x128xi16>
      %add3A_494 = arith.addi %add3A_485, %select_n3A_493 : vector<512x128xi16>
      %slice3A_495 = vector.extract_strided_slice %concatenate3A {offsets = [0, 3456], sizes = [512, 128], strides = [1, 1]} : vector<512x8064xi16> to vector<512x128xi16>
      %gt3A_496 = vector.broadcast %convert_element_type3A_250 : vector<512x1xi16> to vector<512x128xi16>
      %gt3A_497 = arith.cmpi sgt, %slice3A_495, %gt3A_496 : vector<512x128xi16>
      %broadcast_in_dim3A_498 = vector.shape_cast %broadcast_in_dim3A_154 : vector<1x1xi16> to vector<1x1xi16>
      %broadcast_in_dim3A_499 = vector.broadcast %broadcast_in_dim3A_498 : vector<1x1xi16> to vector<512x128xi16>
      %broadcast_in_dim3A_500 = vector.shape_cast %broadcast_in_dim3A_156 : vector<1x1xi16> to vector<1x1xi16>
      %broadcast_in_dim3A_501 = vector.broadcast %broadcast_in_dim3A_500 : vector<1x1xi16> to vector<512x128xi16>
      %select_n3A_502 = arith.select %gt3A_497, %broadcast_in_dim3A_499, %broadcast_in_dim3A_501 : vector<512x128xi1>, vector<512x128xi16>
      %add3A_503 = arith.addi %add3A_494, %select_n3A_502 : vector<512x128xi16>
      %slice3A_504 = vector.extract_strided_slice %concatenate3A {offsets = [0, 3584], sizes = [512, 128], strides = [1, 1]} : vector<512x8064xi16> to vector<512x128xi16>
      %gt3A_505 = vector.broadcast %convert_element_type3A_250 : vector<512x1xi16> to vector<512x128xi16>
      %gt3A_506 = arith.cmpi sgt, %slice3A_504, %gt3A_505 : vector<512x128xi16>
      %broadcast_in_dim3A_507 = vector.shape_cast %broadcast_in_dim3A_154 : vector<1x1xi16> to vector<1x1xi16>
      %broadcast_in_dim3A_508 = vector.broadcast %broadcast_in_dim3A_507 : vector<1x1xi16> to vector<512x128xi16>
      %broadcast_in_dim3A_509 = vector.shape_cast %broadcast_in_dim3A_156 : vector<1x1xi16> to vector<1x1xi16>
      %broadcast_in_dim3A_510 = vector.broadcast %broadcast_in_dim3A_509 : vector<1x1xi16> to vector<512x128xi16>
      %select_n3A_511 = arith.select %gt3A_506, %broadcast_in_dim3A_508, %broadcast_in_dim3A_510 : vector<512x128xi1>, vector<512x128xi16>
      %add3A_512 = arith.addi %add3A_503, %select_n3A_511 : vector<512x128xi16>
      %slice3A_513 = vector.extract_strided_slice %concatenate3A {offsets = [0, 3712], sizes = [512, 128], strides = [1, 1]} : vector<512x8064xi16> to vector<512x128xi16>
      %gt3A_514 = vector.broadcast %convert_element_type3A_250 : vector<512x1xi16> to vector<512x128xi16>
      %gt3A_515 = arith.cmpi sgt, %slice3A_513, %gt3A_514 : vector<512x128xi16>
      %broadcast_in_dim3A_516 = vector.shape_cast %broadcast_in_dim3A_154 : vector<1x1xi16> to vector<1x1xi16>
      %broadcast_in_dim3A_517 = vector.broadcast %broadcast_in_dim3A_516 : vector<1x1xi16> to vector<512x128xi16>
      %broadcast_in_dim3A_518 = vector.shape_cast %broadcast_in_dim3A_156 : vector<1x1xi16> to vector<1x1xi16>
      %broadcast_in_dim3A_519 = vector.broadcast %broadcast_in_dim3A_518 : vector<1x1xi16> to vector<512x128xi16>
      %select_n3A_520 = arith.select %gt3A_515, %broadcast_in_dim3A_517, %broadcast_in_dim3A_519 : vector<512x128xi1>, vector<512x128xi16>
      %add3A_521 = arith.addi %add3A_512, %select_n3A_520 : vector<512x128xi16>
      %slice3A_522 = vector.extract_strided_slice %concatenate3A {offsets = [0, 3840], sizes = [512, 128], strides = [1, 1]} : vector<512x8064xi16> to vector<512x128xi16>
      %gt3A_523 = vector.broadcast %convert_element_type3A_250 : vector<512x1xi16> to vector<512x128xi16>
      %gt3A_524 = arith.cmpi sgt, %slice3A_522, %gt3A_523 : vector<512x128xi16>
      %broadcast_in_dim3A_525 = vector.shape_cast %broadcast_in_dim3A_154 : vector<1x1xi16> to vector<1x1xi16>
      %broadcast_in_dim3A_526 = vector.broadcast %broadcast_in_dim3A_525 : vector<1x1xi16> to vector<512x128xi16>
      %broadcast_in_dim3A_527 = vector.shape_cast %broadcast_in_dim3A_156 : vector<1x1xi16> to vector<1x1xi16>
      %broadcast_in_dim3A_528 = vector.broadcast %broadcast_in_dim3A_527 : vector<1x1xi16> to vector<512x128xi16>
      %select_n3A_529 = arith.select %gt3A_524, %broadcast_in_dim3A_526, %broadcast_in_dim3A_528 : vector<512x128xi1>, vector<512x128xi16>
      %add3A_530 = arith.addi %add3A_521, %select_n3A_529 : vector<512x128xi16>
      %slice3A_531 = vector.extract_strided_slice %concatenate3A {offsets = [0, 3968], sizes = [512, 128], strides = [1, 1]} : vector<512x8064xi16> to vector<512x128xi16>
      %gt3A_532 = vector.broadcast %convert_element_type3A_250 : vector<512x1xi16> to vector<512x128xi16>
      %gt3A_533 = arith.cmpi sgt, %slice3A_531, %gt3A_532 : vector<512x128xi16>
      %broadcast_in_dim3A_534 = vector.shape_cast %broadcast_in_dim3A_154 : vector<1x1xi16> to vector<1x1xi16>
      %broadcast_in_dim3A_535 = vector.broadcast %broadcast_in_dim3A_534 : vector<1x1xi16> to vector<512x128xi16>
      %broadcast_in_dim3A_536 = vector.shape_cast %broadcast_in_dim3A_156 : vector<1x1xi16> to vector<1x1xi16>
      %broadcast_in_dim3A_537 = vector.broadcast %broadcast_in_dim3A_536 : vector<1x1xi16> to vector<512x128xi16>
      %select_n3A_538 = arith.select %gt3A_533, %broadcast_in_dim3A_535, %broadcast_in_dim3A_537 : vector<512x128xi1>, vector<512x128xi16>
      %add3A_539 = arith.addi %add3A_530, %select_n3A_538 : vector<512x128xi16>
      %slice3A_540 = vector.extract_strided_slice %concatenate3A {offsets = [0, 4096], sizes = [512, 128], strides = [1, 1]} : vector<512x8064xi16> to vector<512x128xi16>
      %gt3A_541 = vector.broadcast %convert_element_type3A_250 : vector<512x1xi16> to vector<512x128xi16>
      %gt3A_542 = arith.cmpi sgt, %slice3A_540, %gt3A_541 : vector<512x128xi16>
      %broadcast_in_dim3A_543 = vector.shape_cast %broadcast_in_dim3A_154 : vector<1x1xi16> to vector<1x1xi16>
      %broadcast_in_dim3A_544 = vector.broadcast %broadcast_in_dim3A_543 : vector<1x1xi16> to vector<512x128xi16>
      %broadcast_in_dim3A_545 = vector.shape_cast %broadcast_in_dim3A_156 : vector<1x1xi16> to vector<1x1xi16>
      %broadcast_in_dim3A_546 = vector.broadcast %broadcast_in_dim3A_545 : vector<1x1xi16> to vector<512x128xi16>
      %select_n3A_547 = arith.select %gt3A_542, %broadcast_in_dim3A_544, %broadcast_in_dim3A_546 : vector<512x128xi1>, vector<512x128xi16>
      %add3A_548 = arith.addi %add3A_539, %select_n3A_547 : vector<512x128xi16>
      %slice3A_549 = vector.extract_strided_slice %concatenate3A {offsets = [0, 4224], sizes = [512, 128], strides = [1, 1]} : vector<512x8064xi16> to vector<512x128xi16>
      %gt3A_550 = vector.broadcast %convert_element_type3A_250 : vector<512x1xi16> to vector<512x128xi16>
      %gt3A_551 = arith.cmpi sgt, %slice3A_549, %gt3A_550 : vector<512x128xi16>
      %broadcast_in_dim3A_552 = vector.shape_cast %broadcast_in_dim3A_154 : vector<1x1xi16> to vector<1x1xi16>
      %broadcast_in_dim3A_553 = vector.broadcast %broadcast_in_dim3A_552 : vector<1x1xi16> to vector<512x128xi16>
      %broadcast_in_dim3A_554 = vector.shape_cast %broadcast_in_dim3A_156 : vector<1x1xi16> to vector<1x1xi16>
      %broadcast_in_dim3A_555 = vector.broadcast %broadcast_in_dim3A_554 : vector<1x1xi16> to vector<512x128xi16>
      %select_n3A_556 = arith.select %gt3A_551, %broadcast_in_dim3A_553, %broadcast_in_dim3A_555 : vector<512x128xi1>, vector<512x128xi16>
      %add3A_557 = arith.addi %add3A_548, %select_n3A_556 : vector<512x128xi16>
      %slice3A_558 = vector.extract_strided_slice %concatenate3A {offsets = [0, 4352], sizes = [512, 128], strides = [1, 1]} : vector<512x8064xi16> to vector<512x128xi16>
      %gt3A_559 = vector.broadcast %convert_element_type3A_250 : vector<512x1xi16> to vector<512x128xi16>
      %gt3A_560 = arith.cmpi sgt, %slice3A_558, %gt3A_559 : vector<512x128xi16>
      %broadcast_in_dim3A_561 = vector.shape_cast %broadcast_in_dim3A_154 : vector<1x1xi16> to vector<1x1xi16>
      %broadcast_in_dim3A_562 = vector.broadcast %broadcast_in_dim3A_561 : vector<1x1xi16> to vector<512x128xi16>
      %broadcast_in_dim3A_563 = vector.shape_cast %broadcast_in_dim3A_156 : vector<1x1xi16> to vector<1x1xi16>
      %broadcast_in_dim3A_564 = vector.broadcast %broadcast_in_dim3A_563 : vector<1x1xi16> to vector<512x128xi16>
      %select_n3A_565 = arith.select %gt3A_560, %broadcast_in_dim3A_562, %broadcast_in_dim3A_564 : vector<512x128xi1>, vector<512x128xi16>
      %add3A_566 = arith.addi %add3A_557, %select_n3A_565 : vector<512x128xi16>
      %slice3A_567 = vector.extract_strided_slice %concatenate3A {offsets = [0, 4480], sizes = [512, 128], strides = [1, 1]} : vector<512x8064xi16> to vector<512x128xi16>
      %gt3A_568 = vector.broadcast %convert_element_type3A_250 : vector<512x1xi16> to vector<512x128xi16>
      %gt3A_569 = arith.cmpi sgt, %slice3A_567, %gt3A_568 : vector<512x128xi16>
      %broadcast_in_dim3A_570 = vector.shape_cast %broadcast_in_dim3A_154 : vector<1x1xi16> to vector<1x1xi16>
      %broadcast_in_dim3A_571 = vector.broadcast %broadcast_in_dim3A_570 : vector<1x1xi16> to vector<512x128xi16>
      %broadcast_in_dim3A_572 = vector.shape_cast %broadcast_in_dim3A_156 : vector<1x1xi16> to vector<1x1xi16>
      %broadcast_in_dim3A_573 = vector.broadcast %broadcast_in_dim3A_572 : vector<1x1xi16> to vector<512x128xi16>
      %select_n3A_574 = arith.select %gt3A_569, %broadcast_in_dim3A_571, %broadcast_in_dim3A_573 : vector<512x128xi1>, vector<512x128xi16>
      %add3A_575 = arith.addi %add3A_566, %select_n3A_574 : vector<512x128xi16>
      %slice3A_576 = vector.extract_strided_slice %concatenate3A {offsets = [0, 4608], sizes = [512, 128], strides = [1, 1]} : vector<512x8064xi16> to vector<512x128xi16>
      %gt3A_577 = vector.broadcast %convert_element_type3A_250 : vector<512x1xi16> to vector<512x128xi16>
      %gt3A_578 = arith.cmpi sgt, %slice3A_576, %gt3A_577 : vector<512x128xi16>
      %broadcast_in_dim3A_579 = vector.shape_cast %broadcast_in_dim3A_154 : vector<1x1xi16> to vector<1x1xi16>
      %broadcast_in_dim3A_580 = vector.broadcast %broadcast_in_dim3A_579 : vector<1x1xi16> to vector<512x128xi16>
      %broadcast_in_dim3A_581 = vector.shape_cast %broadcast_in_dim3A_156 : vector<1x1xi16> to vector<1x1xi16>
      %broadcast_in_dim3A_582 = vector.broadcast %broadcast_in_dim3A_581 : vector<1x1xi16> to vector<512x128xi16>
      %select_n3A_583 = arith.select %gt3A_578, %broadcast_in_dim3A_580, %broadcast_in_dim3A_582 : vector<512x128xi1>, vector<512x128xi16>
      %add3A_584 = arith.addi %add3A_575, %select_n3A_583 : vector<512x128xi16>
      %slice3A_585 = vector.extract_strided_slice %concatenate3A {offsets = [0, 4736], sizes = [512, 128], strides = [1, 1]} : vector<512x8064xi16> to vector<512x128xi16>
      %gt3A_586 = vector.broadcast %convert_element_type3A_250 : vector<512x1xi16> to vector<512x128xi16>
      %gt3A_587 = arith.cmpi sgt, %slice3A_585, %gt3A_586 : vector<512x128xi16>
      %broadcast_in_dim3A_588 = vector.shape_cast %broadcast_in_dim3A_154 : vector<1x1xi16> to vector<1x1xi16>
      %broadcast_in_dim3A_589 = vector.broadcast %broadcast_in_dim3A_588 : vector<1x1xi16> to vector<512x128xi16>
      %broadcast_in_dim3A_590 = vector.shape_cast %broadcast_in_dim3A_156 : vector<1x1xi16> to vector<1x1xi16>
      %broadcast_in_dim3A_591 = vector.broadcast %broadcast_in_dim3A_590 : vector<1x1xi16> to vector<512x128xi16>
      %select_n3A_592 = arith.select %gt3A_587, %broadcast_in_dim3A_589, %broadcast_in_dim3A_591 : vector<512x128xi1>, vector<512x128xi16>
      %add3A_593 = arith.addi %add3A_584, %select_n3A_592 : vector<512x128xi16>
      %slice3A_594 = vector.extract_strided_slice %concatenate3A {offsets = [0, 4864], sizes = [512, 128], strides = [1, 1]} : vector<512x8064xi16> to vector<512x128xi16>
      %gt3A_595 = vector.broadcast %convert_element_type3A_250 : vector<512x1xi16> to vector<512x128xi16>
      %gt3A_596 = arith.cmpi sgt, %slice3A_594, %gt3A_595 : vector<512x128xi16>
      %broadcast_in_dim3A_597 = vector.shape_cast %broadcast_in_dim3A_154 : vector<1x1xi16> to vector<1x1xi16>
      %broadcast_in_dim3A_598 = vector.broadcast %broadcast_in_dim3A_597 : vector<1x1xi16> to vector<512x128xi16>
      %broadcast_in_dim3A_599 = vector.shape_cast %broadcast_in_dim3A_156 : vector<1x1xi16> to vector<1x1xi16>
      %broadcast_in_dim3A_600 = vector.broadcast %broadcast_in_dim3A_599 : vector<1x1xi16> to vector<512x128xi16>
      %select_n3A_601 = arith.select %gt3A_596, %broadcast_in_dim3A_598, %broadcast_in_dim3A_600 : vector<512x128xi1>, vector<512x128xi16>
      %add3A_602 = arith.addi %add3A_593, %select_n3A_601 : vector<512x128xi16>
      %slice3A_603 = vector.extract_strided_slice %concatenate3A {offsets = [0, 4992], sizes = [512, 128], strides = [1, 1]} : vector<512x8064xi16> to vector<512x128xi16>
      %gt3A_604 = vector.broadcast %convert_element_type3A_250 : vector<512x1xi16> to vector<512x128xi16>
      %gt3A_605 = arith.cmpi sgt, %slice3A_603, %gt3A_604 : vector<512x128xi16>
      %broadcast_in_dim3A_606 = vector.shape_cast %broadcast_in_dim3A_154 : vector<1x1xi16> to vector<1x1xi16>
      %broadcast_in_dim3A_607 = vector.broadcast %broadcast_in_dim3A_606 : vector<1x1xi16> to vector<512x128xi16>
      %broadcast_in_dim3A_608 = vector.shape_cast %broadcast_in_dim3A_156 : vector<1x1xi16> to vector<1x1xi16>
      %broadcast_in_dim3A_609 = vector.broadcast %broadcast_in_dim3A_608 : vector<1x1xi16> to vector<512x128xi16>
      %select_n3A_610 = arith.select %gt3A_605, %broadcast_in_dim3A_607, %broadcast_in_dim3A_609 : vector<512x128xi1>, vector<512x128xi16>
      %add3A_611 = arith.addi %add3A_602, %select_n3A_610 : vector<512x128xi16>
      %slice3A_612 = vector.extract_strided_slice %concatenate3A {offsets = [0, 5120], sizes = [512, 128], strides = [1, 1]} : vector<512x8064xi16> to vector<512x128xi16>
      %gt3A_613 = vector.broadcast %convert_element_type3A_250 : vector<512x1xi16> to vector<512x128xi16>
      %gt3A_614 = arith.cmpi sgt, %slice3A_612, %gt3A_613 : vector<512x128xi16>
      %broadcast_in_dim3A_615 = vector.shape_cast %broadcast_in_dim3A_154 : vector<1x1xi16> to vector<1x1xi16>
      %broadcast_in_dim3A_616 = vector.broadcast %broadcast_in_dim3A_615 : vector<1x1xi16> to vector<512x128xi16>
      %broadcast_in_dim3A_617 = vector.shape_cast %broadcast_in_dim3A_156 : vector<1x1xi16> to vector<1x1xi16>
      %broadcast_in_dim3A_618 = vector.broadcast %broadcast_in_dim3A_617 : vector<1x1xi16> to vector<512x128xi16>
      %select_n3A_619 = arith.select %gt3A_614, %broadcast_in_dim3A_616, %broadcast_in_dim3A_618 : vector<512x128xi1>, vector<512x128xi16>
      %add3A_620 = arith.addi %add3A_611, %select_n3A_619 : vector<512x128xi16>
      %slice3A_621 = vector.extract_strided_slice %concatenate3A {offsets = [0, 5248], sizes = [512, 128], strides = [1, 1]} : vector<512x8064xi16> to vector<512x128xi16>
      %gt3A_622 = vector.broadcast %convert_element_type3A_250 : vector<512x1xi16> to vector<512x128xi16>
      %gt3A_623 = arith.cmpi sgt, %slice3A_621, %gt3A_622 : vector<512x128xi16>
      %broadcast_in_dim3A_624 = vector.shape_cast %broadcast_in_dim3A_154 : vector<1x1xi16> to vector<1x1xi16>
      %broadcast_in_dim3A_625 = vector.broadcast %broadcast_in_dim3A_624 : vector<1x1xi16> to vector<512x128xi16>
      %broadcast_in_dim3A_626 = vector.shape_cast %broadcast_in_dim3A_156 : vector<1x1xi16> to vector<1x1xi16>
      %broadcast_in_dim3A_627 = vector.broadcast %broadcast_in_dim3A_626 : vector<1x1xi16> to vector<512x128xi16>
      %select_n3A_628 = arith.select %gt3A_623, %broadcast_in_dim3A_625, %broadcast_in_dim3A_627 : vector<512x128xi1>, vector<512x128xi16>
      %add3A_629 = arith.addi %add3A_620, %select_n3A_628 : vector<512x128xi16>
      %slice3A_630 = vector.extract_strided_slice %concatenate3A {offsets = [0, 5376], sizes = [512, 128], strides = [1, 1]} : vector<512x8064xi16> to vector<512x128xi16>
      %gt3A_631 = vector.broadcast %convert_element_type3A_250 : vector<512x1xi16> to vector<512x128xi16>
      %gt3A_632 = arith.cmpi sgt, %slice3A_630, %gt3A_631 : vector<512x128xi16>
      %broadcast_in_dim3A_633 = vector.shape_cast %broadcast_in_dim3A_154 : vector<1x1xi16> to vector<1x1xi16>
      %broadcast_in_dim3A_634 = vector.broadcast %broadcast_in_dim3A_633 : vector<1x1xi16> to vector<512x128xi16>
      %broadcast_in_dim3A_635 = vector.shape_cast %broadcast_in_dim3A_156 : vector<1x1xi16> to vector<1x1xi16>
      %broadcast_in_dim3A_636 = vector.broadcast %broadcast_in_dim3A_635 : vector<1x1xi16> to vector<512x128xi16>
      %select_n3A_637 = arith.select %gt3A_632, %broadcast_in_dim3A_634, %broadcast_in_dim3A_636 : vector<512x128xi1>, vector<512x128xi16>
      %add3A_638 = arith.addi %add3A_629, %select_n3A_637 : vector<512x128xi16>
      %slice3A_639 = vector.extract_strided_slice %concatenate3A {offsets = [0, 5504], sizes = [512, 128], strides = [1, 1]} : vector<512x8064xi16> to vector<512x128xi16>
      %gt3A_640 = vector.broadcast %convert_element_type3A_250 : vector<512x1xi16> to vector<512x128xi16>
      %gt3A_641 = arith.cmpi sgt, %slice3A_639, %gt3A_640 : vector<512x128xi16>
      %broadcast_in_dim3A_642 = vector.shape_cast %broadcast_in_dim3A_154 : vector<1x1xi16> to vector<1x1xi16>
      %broadcast_in_dim3A_643 = vector.broadcast %broadcast_in_dim3A_642 : vector<1x1xi16> to vector<512x128xi16>
      %broadcast_in_dim3A_644 = vector.shape_cast %broadcast_in_dim3A_156 : vector<1x1xi16> to vector<1x1xi16>
      %broadcast_in_dim3A_645 = vector.broadcast %broadcast_in_dim3A_644 : vector<1x1xi16> to vector<512x128xi16>
      %select_n3A_646 = arith.select %gt3A_641, %broadcast_in_dim3A_643, %broadcast_in_dim3A_645 : vector<512x128xi1>, vector<512x128xi16>
      %add3A_647 = arith.addi %add3A_638, %select_n3A_646 : vector<512x128xi16>
      %slice3A_648 = vector.extract_strided_slice %concatenate3A {offsets = [0, 5632], sizes = [512, 128], strides = [1, 1]} : vector<512x8064xi16> to vector<512x128xi16>
      %gt3A_649 = vector.broadcast %convert_element_type3A_250 : vector<512x1xi16> to vector<512x128xi16>
      %gt3A_650 = arith.cmpi sgt, %slice3A_648, %gt3A_649 : vector<512x128xi16>
      %broadcast_in_dim3A_651 = vector.shape_cast %broadcast_in_dim3A_154 : vector<1x1xi16> to vector<1x1xi16>
      %broadcast_in_dim3A_652 = vector.broadcast %broadcast_in_dim3A_651 : vector<1x1xi16> to vector<512x128xi16>
      %broadcast_in_dim3A_653 = vector.shape_cast %broadcast_in_dim3A_156 : vector<1x1xi16> to vector<1x1xi16>
      %broadcast_in_dim3A_654 = vector.broadcast %broadcast_in_dim3A_653 : vector<1x1xi16> to vector<512x128xi16>
      %select_n3A_655 = arith.select %gt3A_650, %broadcast_in_dim3A_652, %broadcast_in_dim3A_654 : vector<512x128xi1>, vector<512x128xi16>
      %add3A_656 = arith.addi %add3A_647, %select_n3A_655 : vector<512x128xi16>
      %slice3A_657 = vector.extract_strided_slice %concatenate3A {offsets = [0, 5760], sizes = [512, 128], strides = [1, 1]} : vector<512x8064xi16> to vector<512x128xi16>
      %gt3A_658 = vector.broadcast %convert_element_type3A_250 : vector<512x1xi16> to vector<512x128xi16>
      %gt3A_659 = arith.cmpi sgt, %slice3A_657, %gt3A_658 : vector<512x128xi16>
      %broadcast_in_dim3A_660 = vector.shape_cast %broadcast_in_dim3A_154 : vector<1x1xi16> to vector<1x1xi16>
      %broadcast_in_dim3A_661 = vector.broadcast %broadcast_in_dim3A_660 : vector<1x1xi16> to vector<512x128xi16>
      %broadcast_in_dim3A_662 = vector.shape_cast %broadcast_in_dim3A_156 : vector<1x1xi16> to vector<1x1xi16>
      %broadcast_in_dim3A_663 = vector.broadcast %broadcast_in_dim3A_662 : vector<1x1xi16> to vector<512x128xi16>
      %select_n3A_664 = arith.select %gt3A_659, %broadcast_in_dim3A_661, %broadcast_in_dim3A_663 : vector<512x128xi1>, vector<512x128xi16>
      %add3A_665 = arith.addi %add3A_656, %select_n3A_664 : vector<512x128xi16>
      %slice3A_666 = vector.extract_strided_slice %concatenate3A {offsets = [0, 5888], sizes = [512, 128], strides = [1, 1]} : vector<512x8064xi16> to vector<512x128xi16>
      %gt3A_667 = vector.broadcast %convert_element_type3A_250 : vector<512x1xi16> to vector<512x128xi16>
      %gt3A_668 = arith.cmpi sgt, %slice3A_666, %gt3A_667 : vector<512x128xi16>
      %broadcast_in_dim3A_669 = vector.shape_cast %broadcast_in_dim3A_154 : vector<1x1xi16> to vector<1x1xi16>
      %broadcast_in_dim3A_670 = vector.broadcast %broadcast_in_dim3A_669 : vector<1x1xi16> to vector<512x128xi16>
      %broadcast_in_dim3A_671 = vector.shape_cast %broadcast_in_dim3A_156 : vector<1x1xi16> to vector<1x1xi16>
      %broadcast_in_dim3A_672 = vector.broadcast %broadcast_in_dim3A_671 : vector<1x1xi16> to vector<512x128xi16>
      %select_n3A_673 = arith.select %gt3A_668, %broadcast_in_dim3A_670, %broadcast_in_dim3A_672 : vector<512x128xi1>, vector<512x128xi16>
      %add3A_674 = arith.addi %add3A_665, %select_n3A_673 : vector<512x128xi16>
      %slice3A_675 = vector.extract_strided_slice %concatenate3A {offsets = [0, 6016], sizes = [512, 128], strides = [1, 1]} : vector<512x8064xi16> to vector<512x128xi16>
      %gt3A_676 = vector.broadcast %convert_element_type3A_250 : vector<512x1xi16> to vector<512x128xi16>
      %gt3A_677 = arith.cmpi sgt, %slice3A_675, %gt3A_676 : vector<512x128xi16>
      %broadcast_in_dim3A_678 = vector.shape_cast %broadcast_in_dim3A_154 : vector<1x1xi16> to vector<1x1xi16>
      %broadcast_in_dim3A_679 = vector.broadcast %broadcast_in_dim3A_678 : vector<1x1xi16> to vector<512x128xi16>
      %broadcast_in_dim3A_680 = vector.shape_cast %broadcast_in_dim3A_156 : vector<1x1xi16> to vector<1x1xi16>
      %broadcast_in_dim3A_681 = vector.broadcast %broadcast_in_dim3A_680 : vector<1x1xi16> to vector<512x128xi16>
      %select_n3A_682 = arith.select %gt3A_677, %broadcast_in_dim3A_679, %broadcast_in_dim3A_681 : vector<512x128xi1>, vector<512x128xi16>
      %add3A_683 = arith.addi %add3A_674, %select_n3A_682 : vector<512x128xi16>
      %slice3A_684 = vector.extract_strided_slice %concatenate3A {offsets = [0, 6144], sizes = [512, 128], strides = [1, 1]} : vector<512x8064xi16> to vector<512x128xi16>
      %gt3A_685 = vector.broadcast %convert_element_type3A_250 : vector<512x1xi16> to vector<512x128xi16>
      %gt3A_686 = arith.cmpi sgt, %slice3A_684, %gt3A_685 : vector<512x128xi16>
      %broadcast_in_dim3A_687 = vector.shape_cast %broadcast_in_dim3A_154 : vector<1x1xi16> to vector<1x1xi16>
      %broadcast_in_dim3A_688 = vector.broadcast %broadcast_in_dim3A_687 : vector<1x1xi16> to vector<512x128xi16>
      %broadcast_in_dim3A_689 = vector.shape_cast %broadcast_in_dim3A_156 : vector<1x1xi16> to vector<1x1xi16>
      %broadcast_in_dim3A_690 = vector.broadcast %broadcast_in_dim3A_689 : vector<1x1xi16> to vector<512x128xi16>
      %select_n3A_691 = arith.select %gt3A_686, %broadcast_in_dim3A_688, %broadcast_in_dim3A_690 : vector<512x128xi1>, vector<512x128xi16>
      %add3A_692 = arith.addi %add3A_683, %select_n3A_691 : vector<512x128xi16>
      %slice3A_693 = vector.extract_strided_slice %concatenate3A {offsets = [0, 6272], sizes = [512, 128], strides = [1, 1]} : vector<512x8064xi16> to vector<512x128xi16>
      %gt3A_694 = vector.broadcast %convert_element_type3A_250 : vector<512x1xi16> to vector<512x128xi16>
      %gt3A_695 = arith.cmpi sgt, %slice3A_693, %gt3A_694 : vector<512x128xi16>
      %broadcast_in_dim3A_696 = vector.shape_cast %broadcast_in_dim3A_154 : vector<1x1xi16> to vector<1x1xi16>
      %broadcast_in_dim3A_697 = vector.broadcast %broadcast_in_dim3A_696 : vector<1x1xi16> to vector<512x128xi16>
      %broadcast_in_dim3A_698 = vector.shape_cast %broadcast_in_dim3A_156 : vector<1x1xi16> to vector<1x1xi16>
      %broadcast_in_dim3A_699 = vector.broadcast %broadcast_in_dim3A_698 : vector<1x1xi16> to vector<512x128xi16>
      %select_n3A_700 = arith.select %gt3A_695, %broadcast_in_dim3A_697, %broadcast_in_dim3A_699 : vector<512x128xi1>, vector<512x128xi16>
      %add3A_701 = arith.addi %add3A_692, %select_n3A_700 : vector<512x128xi16>
      %slice3A_702 = vector.extract_strided_slice %concatenate3A {offsets = [0, 6400], sizes = [512, 128], strides = [1, 1]} : vector<512x8064xi16> to vector<512x128xi16>
      %gt3A_703 = vector.broadcast %convert_element_type3A_250 : vector<512x1xi16> to vector<512x128xi16>
      %gt3A_704 = arith.cmpi sgt, %slice3A_702, %gt3A_703 : vector<512x128xi16>
      %broadcast_in_dim3A_705 = vector.shape_cast %broadcast_in_dim3A_154 : vector<1x1xi16> to vector<1x1xi16>
      %broadcast_in_dim3A_706 = vector.broadcast %broadcast_in_dim3A_705 : vector<1x1xi16> to vector<512x128xi16>
      %broadcast_in_dim3A_707 = vector.shape_cast %broadcast_in_dim3A_156 : vector<1x1xi16> to vector<1x1xi16>
      %broadcast_in_dim3A_708 = vector.broadcast %broadcast_in_dim3A_707 : vector<1x1xi16> to vector<512x128xi16>
      %select_n3A_709 = arith.select %gt3A_704, %broadcast_in_dim3A_706, %broadcast_in_dim3A_708 : vector<512x128xi1>, vector<512x128xi16>
      %add3A_710 = arith.addi %add3A_701, %select_n3A_709 : vector<512x128xi16>
      %slice3A_711 = vector.extract_strided_slice %concatenate3A {offsets = [0, 6528], sizes = [512, 128], strides = [1, 1]} : vector<512x8064xi16> to vector<512x128xi16>
      %gt3A_712 = vector.broadcast %convert_element_type3A_250 : vector<512x1xi16> to vector<512x128xi16>
      %gt3A_713 = arith.cmpi sgt, %slice3A_711, %gt3A_712 : vector<512x128xi16>
      %broadcast_in_dim3A_714 = vector.shape_cast %broadcast_in_dim3A_154 : vector<1x1xi16> to vector<1x1xi16>
      %broadcast_in_dim3A_715 = vector.broadcast %broadcast_in_dim3A_714 : vector<1x1xi16> to vector<512x128xi16>
      %broadcast_in_dim3A_716 = vector.shape_cast %broadcast_in_dim3A_156 : vector<1x1xi16> to vector<1x1xi16>
      %broadcast_in_dim3A_717 = vector.broadcast %broadcast_in_dim3A_716 : vector<1x1xi16> to vector<512x128xi16>
      %select_n3A_718 = arith.select %gt3A_713, %broadcast_in_dim3A_715, %broadcast_in_dim3A_717 : vector<512x128xi1>, vector<512x128xi16>
      %add3A_719 = arith.addi %add3A_710, %select_n3A_718 : vector<512x128xi16>
      %slice3A_720 = vector.extract_strided_slice %concatenate3A {offsets = [0, 6656], sizes = [512, 128], strides = [1, 1]} : vector<512x8064xi16> to vector<512x128xi16>
      %gt3A_721 = vector.broadcast %convert_element_type3A_250 : vector<512x1xi16> to vector<512x128xi16>
      %gt3A_722 = arith.cmpi sgt, %slice3A_720, %gt3A_721 : vector<512x128xi16>
      %broadcast_in_dim3A_723 = vector.shape_cast %broadcast_in_dim3A_154 : vector<1x1xi16> to vector<1x1xi16>
      %broadcast_in_dim3A_724 = vector.broadcast %broadcast_in_dim3A_723 : vector<1x1xi16> to vector<512x128xi16>
      %broadcast_in_dim3A_725 = vector.shape_cast %broadcast_in_dim3A_156 : vector<1x1xi16> to vector<1x1xi16>
      %broadcast_in_dim3A_726 = vector.broadcast %broadcast_in_dim3A_725 : vector<1x1xi16> to vector<512x128xi16>
      %select_n3A_727 = arith.select %gt3A_722, %broadcast_in_dim3A_724, %broadcast_in_dim3A_726 : vector<512x128xi1>, vector<512x128xi16>
      %add3A_728 = arith.addi %add3A_719, %select_n3A_727 : vector<512x128xi16>
      %slice3A_729 = vector.extract_strided_slice %concatenate3A {offsets = [0, 6784], sizes = [512, 128], strides = [1, 1]} : vector<512x8064xi16> to vector<512x128xi16>
      %gt3A_730 = vector.broadcast %convert_element_type3A_250 : vector<512x1xi16> to vector<512x128xi16>
      %gt3A_731 = arith.cmpi sgt, %slice3A_729, %gt3A_730 : vector<512x128xi16>
      %broadcast_in_dim3A_732 = vector.shape_cast %broadcast_in_dim3A_154 : vector<1x1xi16> to vector<1x1xi16>
      %broadcast_in_dim3A_733 = vector.broadcast %broadcast_in_dim3A_732 : vector<1x1xi16> to vector<512x128xi16>
      %broadcast_in_dim3A_734 = vector.shape_cast %broadcast_in_dim3A_156 : vector<1x1xi16> to vector<1x1xi16>
      %broadcast_in_dim3A_735 = vector.broadcast %broadcast_in_dim3A_734 : vector<1x1xi16> to vector<512x128xi16>
      %select_n3A_736 = arith.select %gt3A_731, %broadcast_in_dim3A_733, %broadcast_in_dim3A_735 : vector<512x128xi1>, vector<512x128xi16>
      %add3A_737 = arith.addi %add3A_728, %select_n3A_736 : vector<512x128xi16>
      %slice3A_738 = vector.extract_strided_slice %concatenate3A {offsets = [0, 6912], sizes = [512, 128], strides = [1, 1]} : vector<512x8064xi16> to vector<512x128xi16>
      %gt3A_739 = vector.broadcast %convert_element_type3A_250 : vector<512x1xi16> to vector<512x128xi16>
      %gt3A_740 = arith.cmpi sgt, %slice3A_738, %gt3A_739 : vector<512x128xi16>
      %broadcast_in_dim3A_741 = vector.shape_cast %broadcast_in_dim3A_154 : vector<1x1xi16> to vector<1x1xi16>
      %broadcast_in_dim3A_742 = vector.broadcast %broadcast_in_dim3A_741 : vector<1x1xi16> to vector<512x128xi16>
      %broadcast_in_dim3A_743 = vector.shape_cast %broadcast_in_dim3A_156 : vector<1x1xi16> to vector<1x1xi16>
      %broadcast_in_dim3A_744 = vector.broadcast %broadcast_in_dim3A_743 : vector<1x1xi16> to vector<512x128xi16>
      %select_n3A_745 = arith.select %gt3A_740, %broadcast_in_dim3A_742, %broadcast_in_dim3A_744 : vector<512x128xi1>, vector<512x128xi16>
      %add3A_746 = arith.addi %add3A_737, %select_n3A_745 : vector<512x128xi16>
      %slice3A_747 = vector.extract_strided_slice %concatenate3A {offsets = [0, 7040], sizes = [512, 128], strides = [1, 1]} : vector<512x8064xi16> to vector<512x128xi16>
      %gt3A_748 = vector.broadcast %convert_element_type3A_250 : vector<512x1xi16> to vector<512x128xi16>
      %gt3A_749 = arith.cmpi sgt, %slice3A_747, %gt3A_748 : vector<512x128xi16>
      %broadcast_in_dim3A_750 = vector.shape_cast %broadcast_in_dim3A_154 : vector<1x1xi16> to vector<1x1xi16>
      %broadcast_in_dim3A_751 = vector.broadcast %broadcast_in_dim3A_750 : vector<1x1xi16> to vector<512x128xi16>
      %broadcast_in_dim3A_752 = vector.shape_cast %broadcast_in_dim3A_156 : vector<1x1xi16> to vector<1x1xi16>
      %broadcast_in_dim3A_753 = vector.broadcast %broadcast_in_dim3A_752 : vector<1x1xi16> to vector<512x128xi16>
      %select_n3A_754 = arith.select %gt3A_749, %broadcast_in_dim3A_751, %broadcast_in_dim3A_753 : vector<512x128xi1>, vector<512x128xi16>
      %add3A_755 = arith.addi %add3A_746, %select_n3A_754 : vector<512x128xi16>
      %slice3A_756 = vector.extract_strided_slice %concatenate3A {offsets = [0, 7168], sizes = [512, 128], strides = [1, 1]} : vector<512x8064xi16> to vector<512x128xi16>
      %gt3A_757 = vector.broadcast %convert_element_type3A_250 : vector<512x1xi16> to vector<512x128xi16>
      %gt3A_758 = arith.cmpi sgt, %slice3A_756, %gt3A_757 : vector<512x128xi16>
      %broadcast_in_dim3A_759 = vector.shape_cast %broadcast_in_dim3A_154 : vector<1x1xi16> to vector<1x1xi16>
      %broadcast_in_dim3A_760 = vector.broadcast %broadcast_in_dim3A_759 : vector<1x1xi16> to vector<512x128xi16>
      %broadcast_in_dim3A_761 = vector.shape_cast %broadcast_in_dim3A_156 : vector<1x1xi16> to vector<1x1xi16>
      %broadcast_in_dim3A_762 = vector.broadcast %broadcast_in_dim3A_761 : vector<1x1xi16> to vector<512x128xi16>
      %select_n3A_763 = arith.select %gt3A_758, %broadcast_in_dim3A_760, %broadcast_in_dim3A_762 : vector<512x128xi1>, vector<512x128xi16>
      %add3A_764 = arith.addi %add3A_755, %select_n3A_763 : vector<512x128xi16>
      %slice3A_765 = vector.extract_strided_slice %concatenate3A {offsets = [0, 7296], sizes = [512, 128], strides = [1, 1]} : vector<512x8064xi16> to vector<512x128xi16>
      %gt3A_766 = vector.broadcast %convert_element_type3A_250 : vector<512x1xi16> to vector<512x128xi16>
      %gt3A_767 = arith.cmpi sgt, %slice3A_765, %gt3A_766 : vector<512x128xi16>
      %broadcast_in_dim3A_768 = vector.shape_cast %broadcast_in_dim3A_154 : vector<1x1xi16> to vector<1x1xi16>
      %broadcast_in_dim3A_769 = vector.broadcast %broadcast_in_dim3A_768 : vector<1x1xi16> to vector<512x128xi16>
      %broadcast_in_dim3A_770 = vector.shape_cast %broadcast_in_dim3A_156 : vector<1x1xi16> to vector<1x1xi16>
      %broadcast_in_dim3A_771 = vector.broadcast %broadcast_in_dim3A_770 : vector<1x1xi16> to vector<512x128xi16>
      %select_n3A_772 = arith.select %gt3A_767, %broadcast_in_dim3A_769, %broadcast_in_dim3A_771 : vector<512x128xi1>, vector<512x128xi16>
      %add3A_773 = arith.addi %add3A_764, %select_n3A_772 : vector<512x128xi16>
      %slice3A_774 = vector.extract_strided_slice %concatenate3A {offsets = [0, 7424], sizes = [512, 128], strides = [1, 1]} : vector<512x8064xi16> to vector<512x128xi16>
      %gt3A_775 = vector.broadcast %convert_element_type3A_250 : vector<512x1xi16> to vector<512x128xi16>
      %gt3A_776 = arith.cmpi sgt, %slice3A_774, %gt3A_775 : vector<512x128xi16>
      %broadcast_in_dim3A_777 = vector.shape_cast %broadcast_in_dim3A_154 : vector<1x1xi16> to vector<1x1xi16>
      %broadcast_in_dim3A_778 = vector.broadcast %broadcast_in_dim3A_777 : vector<1x1xi16> to vector<512x128xi16>
      %broadcast_in_dim3A_779 = vector.shape_cast %broadcast_in_dim3A_156 : vector<1x1xi16> to vector<1x1xi16>
      %broadcast_in_dim3A_780 = vector.broadcast %broadcast_in_dim3A_779 : vector<1x1xi16> to vector<512x128xi16>
      %select_n3A_781 = arith.select %gt3A_776, %broadcast_in_dim3A_778, %broadcast_in_dim3A_780 : vector<512x128xi1>, vector<512x128xi16>
      %add3A_782 = arith.addi %add3A_773, %select_n3A_781 : vector<512x128xi16>
      %slice3A_783 = vector.extract_strided_slice %concatenate3A {offsets = [0, 7552], sizes = [512, 128], strides = [1, 1]} : vector<512x8064xi16> to vector<512x128xi16>
      %gt3A_784 = vector.broadcast %convert_element_type3A_250 : vector<512x1xi16> to vector<512x128xi16>
      %gt3A_785 = arith.cmpi sgt, %slice3A_783, %gt3A_784 : vector<512x128xi16>
      %broadcast_in_dim3A_786 = vector.shape_cast %broadcast_in_dim3A_154 : vector<1x1xi16> to vector<1x1xi16>
      %broadcast_in_dim3A_787 = vector.broadcast %broadcast_in_dim3A_786 : vector<1x1xi16> to vector<512x128xi16>
      %broadcast_in_dim3A_788 = vector.shape_cast %broadcast_in_dim3A_156 : vector<1x1xi16> to vector<1x1xi16>
      %broadcast_in_dim3A_789 = vector.broadcast %broadcast_in_dim3A_788 : vector<1x1xi16> to vector<512x128xi16>
      %select_n3A_790 = arith.select %gt3A_785, %broadcast_in_dim3A_787, %broadcast_in_dim3A_789 : vector<512x128xi1>, vector<512x128xi16>
      %add3A_791 = arith.addi %add3A_782, %select_n3A_790 : vector<512x128xi16>
      %slice3A_792 = vector.extract_strided_slice %concatenate3A {offsets = [0, 7680], sizes = [512, 128], strides = [1, 1]} : vector<512x8064xi16> to vector<512x128xi16>
      %gt3A_793 = vector.broadcast %convert_element_type3A_250 : vector<512x1xi16> to vector<512x128xi16>
      %gt3A_794 = arith.cmpi sgt, %slice3A_792, %gt3A_793 : vector<512x128xi16>
      %broadcast_in_dim3A_795 = vector.shape_cast %broadcast_in_dim3A_154 : vector<1x1xi16> to vector<1x1xi16>
      %broadcast_in_dim3A_796 = vector.broadcast %broadcast_in_dim3A_795 : vector<1x1xi16> to vector<512x128xi16>
      %broadcast_in_dim3A_797 = vector.shape_cast %broadcast_in_dim3A_156 : vector<1x1xi16> to vector<1x1xi16>
      %broadcast_in_dim3A_798 = vector.broadcast %broadcast_in_dim3A_797 : vector<1x1xi16> to vector<512x128xi16>
      %select_n3A_799 = arith.select %gt3A_794, %broadcast_in_dim3A_796, %broadcast_in_dim3A_798 : vector<512x128xi1>, vector<512x128xi16>
      %add3A_800 = arith.addi %add3A_791, %select_n3A_799 : vector<512x128xi16>
      %slice3A_801 = vector.extract_strided_slice %concatenate3A {offsets = [0, 7808], sizes = [512, 128], strides = [1, 1]} : vector<512x8064xi16> to vector<512x128xi16>
      %gt3A_802 = vector.broadcast %convert_element_type3A_250 : vector<512x1xi16> to vector<512x128xi16>
      %gt3A_803 = arith.cmpi sgt, %slice3A_801, %gt3A_802 : vector<512x128xi16>
      %broadcast_in_dim3A_804 = vector.shape_cast %broadcast_in_dim3A_154 : vector<1x1xi16> to vector<1x1xi16>
      %broadcast_in_dim3A_805 = vector.broadcast %broadcast_in_dim3A_804 : vector<1x1xi16> to vector<512x128xi16>
      %broadcast_in_dim3A_806 = vector.shape_cast %broadcast_in_dim3A_156 : vector<1x1xi16> to vector<1x1xi16>
      %broadcast_in_dim3A_807 = vector.broadcast %broadcast_in_dim3A_806 : vector<1x1xi16> to vector<512x128xi16>
      %select_n3A_808 = arith.select %gt3A_803, %broadcast_in_dim3A_805, %broadcast_in_dim3A_807 : vector<512x128xi1>, vector<512x128xi16>
      %add3A_809 = arith.addi %add3A_800, %select_n3A_808 : vector<512x128xi16>
      %slice3A_810 = vector.extract_strided_slice %concatenate3A {offsets = [0, 7936], sizes = [512, 128], strides = [1, 1]} : vector<512x8064xi16> to vector<512x128xi16>
      %gt3A_811 = vector.broadcast %convert_element_type3A_250 : vector<512x1xi16> to vector<512x128xi16>
      %gt3A_812 = arith.cmpi sgt, %slice3A_810, %gt3A_811 : vector<512x128xi16>
      %broadcast_in_dim3A_813 = vector.shape_cast %broadcast_in_dim3A_154 : vector<1x1xi16> to vector<1x1xi16>
      %broadcast_in_dim3A_814 = vector.broadcast %broadcast_in_dim3A_813 : vector<1x1xi16> to vector<512x128xi16>
      %broadcast_in_dim3A_815 = vector.shape_cast %broadcast_in_dim3A_156 : vector<1x1xi16> to vector<1x1xi16>
      %broadcast_in_dim3A_816 = vector.broadcast %broadcast_in_dim3A_815 : vector<1x1xi16> to vector<512x128xi16>
      %select_n3A_817 = arith.select %gt3A_812, %broadcast_in_dim3A_814, %broadcast_in_dim3A_816 : vector<512x128xi1>, vector<512x128xi16>
      %add3A_818 = arith.addi %add3A_809, %select_n3A_817 : vector<512x128xi16>
      %convert_element_type3A_819 = arith.sitofp %add3A_818 : vector<512x128xi16> to vector<512x128xf32>
      %reduce_sum3A_820 = arith.constant dense<0.000000e+00> : vector<512xf32>
      %reduce_sum3A_821 = vector.multi_reduction <add>, %convert_element_type3A_819, %reduce_sum3A_820 [1] : vector<512x128xf32> to vector<512xf32>
      %broadcast_in_dim3A_822 = vector.shape_cast %reduce_sum3A_821 : vector<512xf32> to vector<512x1xf32>
      %ge3A = vector.broadcast %scan3A : f32 to vector<512x1xf32>
      %ge3A_823 = arith.cmpf oge, %broadcast_in_dim3A_822, %ge3A : vector<512x1xf32>
      %select_n3A_824 = arith.select %ge3A_823, %shift_right_arithmetic3A_249, %scan3A_244 : vector<512x1xi1>, vector<512x1xi32>
      %select_n3A_825 = arith.select %ge3A_823, %scan3A_245, %shift_right_arithmetic3A_249 : vector<512x1xi1>, vector<512x1xi32>
      %select_n3A_826 = arith.select %ge3A_823, %scan3A_246, %broadcast_in_dim3A_822 : vector<512x1xi1>, vector<512x1xf32>
      scf.yield %select_n3A_824, %select_n3A_825, %select_n3A_826 : vector<512x1xi32>, vector<512x1xi32>, vector<512x1xf32>
    }
    %convert_element_type3A_168 = arith.trunci %scan3A_167#1 : vector<512x1xi32> to vector<512x1xi16>
    %gt3A = vector.broadcast %convert_element_type3A_168 : vector<512x1xi16> to vector<512x8000xi16>
    %gt3A_169 = arith.cmpi sgt, %convert_element_type3A_150, %gt3A : vector<512x8000xi16>
    %eq3A_170 = arith.constant -32768 : i16
    %eq3A_171 = vector.broadcast %eq3A_170 : i16 to vector<512x8000xi16>
    %eq3A_172 = arith.cmpi eq, %convert_element_type3A_150, %eq3A_171 : vector<512x8000xi16>
    %or3A = arith.ori %gt3A_169, %eq3A_172 : vector<512x8000xi1>
    %jit3A_173 = arith.constant 0.000000e+00 : f32
    %broadcast_in_dim3A_174 = vector.broadcast %jit3A_173 : f32 to vector<512x8000xf32>
    %select_n3A_175 = arith.select %or3A, %exp3A, %broadcast_in_dim3A_174 : vector<512x8000xi1>, vector<512x8000xf32>
    %reduce_sum3A_176 = arith.constant dense<0.000000e+00> : vector<512xf32>
    %reduce_sum3A_177 = vector.multi_reduction <add>, %select_n3A_175, %reduce_sum3A_176 [1] : vector<512x8000xf32> to vector<512xf32>
    %broadcast_in_dim3A_178 = vector.shape_cast %reduce_sum3A_177 : vector<512xf32> to vector<512x1xf32>
    %convert_element_type3A_179 = arith.sitofp %scan3A_167#1 : vector<512x1xi32> to vector<512x1xf32>
    %mul3A_180 = arith.constant 3.125000e-05 : f32
    %mul3A_181 = vector.broadcast %mul3A_180 : f32 to vector<512x1xf32>
    %mul3A_182 = arith.mulf %convert_element_type3A_179, %mul3A_181 : vector<512x1xf32>
    %sub3A_183 = arith.constant 5.000000e+01 : f32
    %sub3A_184 = vector.broadcast %sub3A_183 : f32 to vector<512x1xf32>
    %sub3A_185 = arith.subf %sub3A_184, %scan3A_167#2 : vector<512x1xf32>
    %sub3A_186 = arith.subf %mul3A_182, %broadcast_in_dim3A_101 : vector<512x1xf32>
    %mul3A_187 = arith.constant 14.2857141 : f32
    %mul3A_188 = vector.broadcast %mul3A_187 : f32 to vector<512x1xf32>
    %mul3A_189 = arith.mulf %sub3A_186, %mul3A_188 : vector<512x1xf32>
    %exp3A_190 = math.exp %mul3A_189 : vector<512x1xf32>
    %mul3A_191 = arith.mulf %sub3A_185, %exp3A_190 : vector<512x1xf32>
    %add3A_192 = arith.addf %broadcast_in_dim3A_178, %mul3A_191 : vector<512x1xf32>
    %mul3A_193 = arith.constant 14.2857141 : f32
    %mul3A_194 = vector.broadcast %mul3A_193 : f32 to vector<512x1xf32>
    %mul3A_195 = arith.mulf %broadcast_in_dim3A_101, %mul3A_194 : vector<512x1xf32>
    %log3A_196 = math.log %add3A_192 : vector<512x1xf32>
    %add3A_197 = arith.addf %mul3A_195, %log3A_196 : vector<512x1xf32>
    %sub3A_198 = arith.subf %add3A_197, %mul3A_115 : vector<512x1xf32>
    %iota3A_199 = tpu.iota {dimensions = array<i32: 1>} : vector<1x128xi32>
    %eq3A_200 = vector.broadcast %sub3A_42 : vector<512x1xi32> to vector<512x128xi32>
    %eq3A_201 = vector.broadcast %iota3A_199 : vector<1x128xi32> to vector<512x128xi32>
    %eq3A_202 = arith.cmpi eq, %eq3A_200, %eq3A_201 : vector<512x128xi32>
    %convert_element_type3A_203 = arith.extui %eq3A_202 : vector<512x128xi1> to vector<512x128xi32>
    %convert_element_type3A_204 = arith.sitofp %convert_element_type3A_203 : vector<512x128xi32> to vector<512x128xf32>
    %get3A_205 = arith.constant 0 : index
    %get3A_206 = arith.constant 0 : index
    %get3A_207 = vector.load %arg5[%get3A_205, %get3A_206] : memref<8x128xf32, #tpu.memory_space<vmem>>, vector<1x128xf32>
    %mul3A_208 = vector.broadcast %sub3A_138 : vector<512x1xf32> to vector<512x128xf32>
    %mul3A_209 = arith.mulf %mul3A_208, %convert_element_type3A_204 : vector<512x128xf32>
    %reduce_sum3A_210 = arith.constant dense<0.000000e+00> : vector<128xf32>
    %reduce_sum3A_211 = vector.multi_reduction <add>, %mul3A_209, %reduce_sum3A_210 [0] : vector<512x128xf32> to vector<128xf32>
    %broadcast_in_dim3A_212 = vector.shape_cast %reduce_sum3A_211 : vector<128xf32> to vector<1x128xf32>
    %add3A_213 = arith.addf %get3A_207, %broadcast_in_dim3A_212 : vector<1x128xf32>
    %swap3A = arith.constant 0 : index
    %swap3A_214 = arith.constant 0 : index
    %swap3A_215 = vector.load %arg5[%swap3A, %swap3A_214] : memref<8x128xf32, #tpu.memory_space<vmem>>, vector<1x128xf32>
    tpu.vector_store %arg5[%swap3A, %swap3A_214], %add3A_213 {strides = array<i32>} : memref<8x128xf32, #tpu.memory_space<vmem>>, vector<1x128xf32>,
    %get3A_216 = arith.constant 1 : index
    %get3A_217 = arith.constant 0 : index
    %get3A_218 = vector.load %arg5[%get3A_216, %get3A_217] : memref<8x128xf32, #tpu.memory_space<vmem>>, vector<1x128xf32>
    %mul3A_219 = vector.broadcast %sub3A_198 : vector<512x1xf32> to vector<512x128xf32>
    %mul3A_220 = arith.mulf %mul3A_219, %convert_element_type3A_204 : vector<512x128xf32>
    %reduce_sum3A_221 = arith.constant dense<0.000000e+00> : vector<128xf32>
    %reduce_sum3A_222 = vector.multi_reduction <add>, %mul3A_220, %reduce_sum3A_221 [0] : vector<512x128xf32> to vector<128xf32>
    %broadcast_in_dim3A_223 = vector.shape_cast %reduce_sum3A_222 : vector<128xf32> to vector<1x128xf32>
    %add3A_224 = arith.addf %get3A_218, %broadcast_in_dim3A_223 : vector<1x128xf32>
    %swap3A_225 = arith.constant 1 : index
    %swap3A_226 = arith.constant 0 : index
    %swap3A_227 = vector.load %arg5[%swap3A_225, %swap3A_226] : memref<8x128xf32, #tpu.memory_space<vmem>>, vector<1x128xf32>
    tpu.vector_store %arg5[%swap3A_225, %swap3A_226], %add3A_224 {strides = array<i32>} : memref<8x128xf32, #tpu.memory_space<vmem>>, vector<1x128xf32>,
    %get3A_228 = arith.constant 2 : index
    %get3A_229 = arith.constant 0 : index
    %get3A_230 = vector.load %arg5[%get3A_228, %get3A_229] : memref<8x128xf32, #tpu.memory_space<vmem>>, vector<1x128xf32>
    %reduce_sum3A_231 = arith.constant dense<0.000000e+00> : vector<128xf32>
    %reduce_sum3A_232 = vector.multi_reduction <add>, %convert_element_type3A_204, %reduce_sum3A_231 [0] : vector<512x128xf32> to vector<128xf32>
    %broadcast_in_dim3A_233 = vector.shape_cast %reduce_sum3A_232 : vector<128xf32> to vector<1x128xf32>
    %add3A_234 = arith.addf %get3A_230, %broadcast_in_dim3A_233 : vector<1x128xf32>
    %swap3A_235 = arith.constant 2 : index
    %swap3A_236 = arith.constant 0 : index
    %swap3A_237 = vector.load %arg5[%swap3A_235, %swap3A_236] : memref<8x128xf32, #tpu.memory_space<vmem>>, vector<1x128xf32>
    tpu.vector_store %arg5[%swap3A_235, %swap3A_236], %add3A_234 {strides = array<i32>} : memref<8x128xf32, #tpu.memory_space<vmem>>, vector<1x128xf32>,
    %eq3A_238 = arith.constant 1 : i32
    %eq3A_239 = arith.cmpi eq, %arg0, %eq3A_238 : i32
    %convert_element_type3A_240 = arith.extui %eq3A_239 : i1 to i32
    %cond3A_241 = arith.constant 0 : i32
    %cond3A_242 = arith.cmpi ne, %convert_element_type3A_240, %cond3A_241 : i32
    scf.if %cond3A_242 {
      %get3A_243 = arith.constant 0 : index
      %get3A_244 = arith.constant 0 : index
      %get3A_245 = vector.load %arg5[%get3A_243, %get3A_244] : memref<8x128xf32, #tpu.memory_space<vmem>>, vector<1x128xf32>
      %get3A_246 = arith.constant 1 : index
      %get3A_247 = arith.constant 0 : index
      %get3A_248 = vector.load %arg5[%get3A_246, %get3A_247] : memref<8x128xf32, #tpu.memory_space<vmem>>, vector<1x128xf32>
      %get3A_249 = arith.constant 2 : index
      %get3A_250 = arith.constant 0 : index
      %get3A_251 = vector.load %arg5[%get3A_249, %get3A_250] : memref<8x128xf32, #tpu.memory_space<vmem>>, vector<1x128xf32>
      %max3A_252 = arith.constant 1.000000e+00 : f32
      %max3A_253 = vector.broadcast %max3A_252 : f32 to vector<1x128xf32>
      %max3A_254 = arith.maximumf %get3A_251, %max3A_253 : vector<1x128xf32>
      %gt3A_255 = arith.constant 0.000000e+00 : f32
      %gt3A_256 = vector.broadcast %gt3A_255 : f32 to vector<1x128xf32>
      %gt3A_257 = arith.cmpf ogt, %get3A_251, %gt3A_256 : vector<1x128xf32>
      %div3A_258 = arith.divf %get3A_245, %max3A_254 : vector<1x128xf32>
      %jit3A_259 = arith.constant 0.000000e+00 : f32
      %broadcast_in_dim3A_260 = vector.broadcast %jit3A_259 : f32 to vector<1x128xf32>
      %select_n3A_261 = arith.select %gt3A_257, %div3A_258, %broadcast_in_dim3A_260 : vector<1x128xi1>, vector<1x128xf32>
      %gt3A_262 = arith.constant 0.000000e+00 : f32
      %gt3A_263 = vector.broadcast %gt3A_262 : f32 to vector<1x128xf32>
      %gt3A_264 = arith.cmpf ogt, %get3A_251, %gt3A_263 : vector<1x128xf32>
      %div3A_265 = arith.divf %get3A_248, %max3A_254 : vector<1x128xf32>
      %jit3A_266 = arith.constant 0.000000e+00 : f32
      %broadcast_in_dim3A_267 = vector.broadcast %jit3A_266 : f32 to vector<1x128xf32>
      %select_n3A_268 = arith.select %gt3A_264, %div3A_265, %broadcast_in_dim3A_267 : vector<1x128xi1>, vector<1x128xf32>
      %reduce_sum3A_269 = vector.shape_cast %select_n3A_261 : vector<1x128xf32> to vector<1x1x128xf32>
      %reduce_sum3A_270 = arith.constant dense<0.000000e+00> : vector<1xf32>
      %reduce_sum3A_271 = vector.multi_reduction <add>, %reduce_sum3A_269, %reduce_sum3A_270 [1, 2] : vector<1x1x128xf32> to vector<1xf32>
      %reduce_sum3A_272 = vector.shape_cast %reduce_sum3A_271 : vector<1xf32> to vector<1x1x1xf32>
      %reduce_sum3A_273 = vector.extract %reduce_sum3A_272[0, 0, 0] : f32 from vector<1x1x1xf32>
      %reduce_sum3A_274 = vector.shape_cast %select_n3A_268 : vector<1x128xf32> to vector<1x1x128xf32>
      %reduce_sum3A_275 = arith.constant dense<0.000000e+00> : vector<1xf32>
      %reduce_sum3A_276 = vector.multi_reduction <add>, %reduce_sum3A_274, %reduce_sum3A_275 [1, 2] : vector<1x1x128xf32> to vector<1xf32>
      %reduce_sum3A_277 = vector.shape_cast %reduce_sum3A_276 : vector<1xf32> to vector<1x1x1xf32>
      %reduce_sum3A_278 = vector.extract %reduce_sum3A_277[0, 0, 0] : f32 from vector<1x1x1xf32>
      %mul3A_279 = arith.constant 5.000000e-01 : f32
      %mul3A_280 = arith.mulf %mul3A_279, %reduce_sum3A_278 : f32
      %iota3A_281 = tpu.iota {dimensions = array<i32: 1>} : vector<1x128xi32>
      %eq3A_282 = arith.constant 0 : i32
      %eq3A_283 = vector.broadcast %eq3A_282 : i32 to vector<1x128xi32>
      %eq3A_284 = arith.cmpi eq, %iota3A_281, %eq3A_283 : vector<1x128xi32>
      %eq3A_285 = arith.constant 1 : i32
      %eq3A_286 = vector.broadcast %eq3A_285 : i32 to vector<1x128xi32>
      %eq3A_287 = arith.cmpi eq, %iota3A_281, %eq3A_286 : vector<1x128xi32>
      %jit3A_288 = arith.constant 0.000000e+00 : f32
      %broadcast_in_dim3A_289 = vector.broadcast %mul3A_280 : f32 to vector<1x128xf32>
      %broadcast_in_dim3A_290 = vector.broadcast %jit3A_288 : f32 to vector<1x128xf32>
      %select_n3A_291 = arith.select %eq3A_287, %broadcast_in_dim3A_289, %broadcast_in_dim3A_290 : vector<1x128xi1>, vector<1x128xf32>
      %broadcast_in_dim3A_292 = vector.broadcast %reduce_sum3A_273 : f32 to vector<1x128xf32>
      %select_n3A_293 = arith.select %eq3A_284, %broadcast_in_dim3A_292, %select_n3A_291 : vector<1x128xi1>, vector<1x128xf32>
      %broadcast_in_dim3A_294 = vector.shape_cast %select_n3A_293 : vector<1x128xf32> to vector<1x128xf32>
      %broadcast_in_dim3A_295 = vector.broadcast %broadcast_in_dim3A_294 : vector<1x128xf32> to vector<8x128xf32>
      %swap3A_296 = arith.constant 0 : index
      %swap3A_297 = arith.constant 0 : index
      %swap3A_298 = vector.load %arg4[%swap3A_296, %swap3A_297] : memref<8x128xf32, #tpu.memory_space<vmem>>, vector<8x128xf32>
      tpu.vector_store %arg4[%swap3A_296, %swap3A_297], %broadcast_in_dim3A_295 {strides = array<i32>} : memref<8x128xf32, #tpu.memory_space<vmem>>, vector<8x128xf32>,
    } else {
    }
    return
  }
  func.func @transform_0(%arg0: i32) -> (i32, i32) {
    %c0_i32 = arith.constant 0 : i32
    %c0_i32_0 = arith.constant 0 : i32
    return %arg0, %c0_i32 : i32, i32
  }
  func.func @transform_1(%arg0: i32) -> (i32, i32) {
    %c0_i32 = arith.constant 0 : i32
    %c0_i32_0 = arith.constant 0 : i32
    return %arg0, %c0_i32 : i32, i32
  }
  func.func @transform_2(%arg0: i32) -> (i32, i32) {
    %c0_i32 = arith.constant 0 : i32
    %c0_i32_0 = arith.constant 0 : i32
    %c0_i32_1 = arith.constant 0 : i32
    return %c0_i32, %c0_i32_0 : i32, i32
  }
  func.func @transform_3(%arg0: i32) -> (i32, i32) {
    %c0_i32 = arith.constant 0 : i32
    %c0_i32_0 = arith.constant 0 : i32
    %c0_i32_1 = arith.constant 0 : i32
    return %c0_i32, %c0_i32_0 : i32, i32
  }
}

</mosaic_0001>

<sc_bundles>
// kernel: kernel.4.cloned.1.call-start
scs
__scs_entry_jumppad:
0x0: {  	(pc) =	sbr.rel $0x88, $3  }
0x1: {  	(tag) =	ssettag $0x0;
	lr =	simm.s32 $0x1  }
0x2: {  	[smem:$0x3F9C] =	sst lr;
	_ =	strace $0xD0000000  }
0x3: {  	_ = 	snop  }
0x4: {  	_ = 	snop  }
0x5: {  	_ = 	snop  }
0x6: {  	_ = 	snop  }
0x7: {  	_ = 	snop  }
__scs_overlays_trampoline_lowered:
0x8: {  	[smem:$0x3FAB] =	sst s0  }
0x9: {  	[smem:$0x3FAC] =	sst s1  }
0xa: {  	[smem:$0x3FAD] =	sst s2  }
0xb: {  	[smem:$0x3FAE] =	sst s3  }
0xc: {  	[smem:$0x3FAF] =	sst s4  }
0xd: {  	[smem:$0x3FB0] =	sst s5  }
0xe: {  	[smem:$0x3FB1] =	sst s6  }
0xf: {  	[smem:$0x3FB2] =	sst s7  }
0x10: {  	[smem:$0x3FB3] =	sst s8  }
0x11: {  	[smem:$0x3FB4] =	sst s9;
	s0 =	simm.s32 @!p0 $0x0  }
0x12: {  	s1 =	sld [smem:$0x3F9A];
	s0 =	simm.s32 @p0 $0x1  }
0x13: {  	[smem:$0x3FB5] =	sst s0;
	s0 =	simm.s32 @!p1 $0x0  }
0x14: {  	s2 =	sld [smem:$0x3F99];
	s0 =	simm.s32 @p1 $0x1  }
0x15: {  	[smem:$0x3FB6] =	sst s0;
	s0 =	simm.s32 @!p2 $0x0  }
0x16: {  	s3 =	sld [smem:$0x3FDB];
	s0 =	simm.s32 @p2 $0x1  }
0x17: {  	s4 =	simm.s32 $0x1BF5;
	[smem:$0x3FB8] =	sst s0  }
0x18: {  	s0 =	sld [smem:$0x3F9B];
	_ =	swait.ge [sflag:s4], $0x0  }
0x19: {  	s7 =	sld [smem:$0x3F9C]  }
0x1a: {  	s8 =	sadd.s32 $0xFFFFE003, lr  }
0x1b: {  	s9 =	sadd.s32 $0xFFFFFEF7, lr;
	s5 =	simm.s32 $0xFFFFFFFF;
	p2 =	slt.u32 s8, $0xFFFFF086  }
0x1c: {  	p1 =	slt.u32 s9, $0xF7A;
	s5 =	simm.s32 @!p2 $0x0  }
0x1d: {  	s5 =	simm.s32 @p1 $0x1;
	p0 =	seq.s32 s7, s2  }
0x1e: {  	s7 =	smul.u32 @!p0 $0xF7A, s2;
	p2 =	seq.s32 @!p0 s5, $0x0  }
0x1f: {  	s9 =	smul.u32 $0xF7A, s1;
	s8 =	simm.s32 @!p0 $0x1BF5;
	p2 =	por !p2, p0  }
0x20: {  	[sflag:s8] =	ssyncset.s32 @!p0 $0xFFFFF086;
	s6 =	sadd.s32 @!p0 s3, s7;
	s7 =	simm.s32 @!p0 $0x108  }
0x21: {  	s3 =	sadd.s32 s3, s9;
	s6 =	sadd.s32 @!p0 $0x88, s6;
	s7 =	simm.s32 @p2 $0x1082  }
0x22: {  	[simem:s7], [sflag:s8] =	dma.local @!p0 [hbm:s6], $0xF7A  }
0x23: {  	s9 =	sor.u32 $0xD0000000, s2;
	s6 =	simm.s32 $0x108;
	_ =	swait.ge @!p0 [sflag:s8], $0x0  }
0x24: {  	s3 =	sadd.s32 $0x88, s3;
	s6 =	simm.s32 @!p1 $0x1082;
	[sflag:s4] =	ssyncset.s32 $0xFFFFF086  }
0x25: {  	[simem:s6], [sflag:s4] =	dma.local [hbm:s3], $0xF7A  }
0x26: {  	[smem:$0x3F9C] =	sst s1;
	(tag) =	ssettag s2;
	_ =	strace s9  }
0x27: {  	s1 =	sld [smem:$0x3FAC]  }
0x28: {  	s2 =	sld [smem:$0x3FAD]  }
0x29: {  	s4 =	sld [smem:$0x3FAF]  }
0x2a: {  	p0 =	seq.s32 s5, $0x0;
	s5 =	sld [smem:$0x3FB0]  }
0x2b: {  	s6 =	sld [smem:$0x3FB1]  }
0x2c: {  	s7 =	sld [smem:$0x3FB2]  }
0x2d: {  	s3 =	simm.s32 $0x108;
	s8 =	sld [smem:$0x3FB3]  }
0x2e: {  	s3 =	simm.s32 @!p0 $0x1082;
	s9 =	sld [smem:$0x3FB4]  }
0x2f: {  	lr =	sadd.s32 s0, s3;
	s0 =	sld [smem:$0x3FAB]  }
0x30: {  	s3 =	sld [smem:$0x3FAE]  }
0x31: {  	[smem:$0x3FB7] =	sst s10  }
0x32: {  	s10 =	sld [smem:$0x3FB5];
	_ =	sdelay $0x3  }
0x33: {  	p0 =	seq.s32 s10, $0x1;
	s10 =	sld [smem:$0x3FB7];
	_ =	sdelay $0x3  }
0x34: {  	[smem:$0x3FB7] =	sst s10  }
0x35: {  	s10 =	sld [smem:$0x3FB6];
	_ =	sdelay $0x3  }
0x36: {  	p1 =	seq.s32 s10, $0x1;
	s10 =	sld [smem:$0x3FB7];
	_ =	sdelay $0x3  }
0x37: {  	[smem:$0x3FB7] =	sst s10  }
0x38: {  	s10 =	sld [smem:$0x3FB8]  }
0x39: {  	_ = 	snop;
	(pc) =	sbr.ind lr, $3  }
0x3a: {  	_ = 	snop  }
0x3b: {  	_ = 	snop  }
0x3c: {  	p2 =	seq.s32 s10, $0x1;
	s10 =	sld [smem:$0x3FB7]  }
0x3d: {  	_ =	shalt  }
0x3e: {  	_ =	shalt  }
0x3f: {  	_ =	shalt  }
0x40: {  	_ =	shalt  }
0x41: {  	_ =	shalt  }
0x42: {  	_ =	shalt  }
0x43: {  	_ =	shalt  }
0x44: {  	_ =	shalt  }
0x45: {  	_ =	shalt  }
0x46: {  	_ =	shalt  }
0x47: {  	_ =	shalt  }
0x48: {  	_ =	shalt  }
0x49: {  	_ =	shalt  }
0x4a: {  	_ =	shalt  }
0x4b: {  	_ =	shalt  }
0x4c: {  	_ =	shalt  }
0x4d: {  	_ =	shalt  }
0x4e: {  	_ =	shalt  }
0x4f: {  	_ =	shalt  }
0x50: {  	_ =	shalt  }
0x51: {  	_ =	shalt  }
0x52: {  	_ =	shalt  }
0x53: {  	_ =	shalt  }
0x54: {  	_ =	shalt  }
0x55: {  	_ =	shalt  }
0x56: {  	_ =	shalt  }
0x57: {  	_ =	shalt  }
0x58: {  	_ =	shalt  }
0x59: {  	_ =	shalt  }
0x5a: {  	_ =	shalt  }
0x5b: {  	_ =	shalt  }
0x5c: {  	_ =	shalt  }
0x5d: {  	_ =	shalt  }
0x5e: {  	_ =	shalt  }
0x5f: {  	_ =	shalt  }
0x60: {  	_ =	shalt  }
0x61: {  	_ =	shalt  }
0x62: {  	_ =	shalt  }
0x63: {  	_ =	shalt  }
0x64: {  	_ =	shalt  }
0x65: {  	_ =	shalt  }
0x66: {  	_ =	shalt  }
0x67: {  	_ =	shalt  }
0x68: {  	_ =	shalt  }
0x69: {  	_ =	shalt  }
0x6a: {  	_ =	shalt  }
0x6b: {  	_ =	shalt  }
0x6c: {  	_ =	shalt  }
0x6d: {  	_ =	shalt  }
0x6e: {  	_ =	shalt  }
0x6f: {  	_ =	shalt  }
0x70: {  	_ =	shalt  }
0x71: {  	_ =	shalt  }
0x72: {  	_ =	shalt  }
0x73: {  	_ =	shalt  }
0x74: {  	_ =	shalt  }
0x75: {  	_ =	shalt  }
0x76: {  	_ =	shalt  }
0x77: {  	_ =	shalt  }
0x78: {  	_ =	shalt  }
0x79: {  	_ =	shalt  }
0x7a: {  	_ =	shalt  }
0x7b: {  	_ =	shalt  }
0x7c: {  	_ =	shalt  }
0x7d: {  	_ =	shalt  }
0x7e: {  	_ =	shalt  }
0x7f: {  	_ =	shalt  }
0x80: {  	_ =	shalt  }
0x81: {  	_ =	shalt  }
0x82: {  	_ =	shalt  }
0x83: {  	_ =	shalt  }
0x84: {  	_ =	shalt  }
0x85: {  	_ =	shalt  }
0x86: {  	_ =	shalt  }
0x87: {  	_ =	shalt  }
.Lfunc_end0:
.L_simem_size_0:
called_computation_lowered:
.L_overlay_start_0:
0x88: {  	s2 =	sld [smem:$0x3FD9]  }
0x89: {  	s3 =	sld [smem:$0x3FFE];
	_ =	sdelay $0x1  }
0x8a: {  	s1 =	srdreg.scid  }
0x8b: {  	s0 =	sand.u32 $0x1, s1  }
0x8c: {  	s17 =	sshll.u32 s0, $0xA;
	s2 =	sadd.s32 s3, s2  }
0x8d: {  	s2 =	sadd.s32 s2, s17  }
0x8e: {  	[smem:$0x3FC3] =	sst s2  }
0x8f: {  	_ = 	snop  }
0x90: {  	s2 =	sld [smem:$0x3FC8];
	(tm) =	ssettm $0x1  }
0x91: {  	s18 =	sld [smem:$0x3FFB];
	_ =	sdelay $0x3  }
0x92: {  	_ =	strace s18  }
0x93: {  	s3 =	sld [smem:$0x3FFC];
	_ =	sdelay $0x3  }
0x94: {  	_ =	strace s3  }
0x95: {  	s3 =	sld [smem:$0x3FFD];
	_ =	sdelay $0x3  }
0x96: {  	_ =	strace s3  }
0x97: {  	_ =	strace $0x8FFFFFFF  }
0x98: {  	s19 =	sld [smem:$0x3FDB];
	_ =	sdelay $0x1  }
0x99: {  	s4 =	simm.s32 $_scs_section_size  }
0x9a: {  	s5 =	simm.s32 $_size__tile_overlayer_lowered;
	s6 =	simm.s32 $_tile_overlayer_lowered  }
0x9b: {  	s22 =	simm.s32 $0x1BFF;
	s21 =	sshll.u32 s6, $0x1;
	s3 =	sadd.s32 s4, s19  }
0x9c: {  	s7 =	simm.s32 $0x0;
	s20 =	sshll.u32 s5, $0x1;
	s5 =	sadd.s32 s21, s3  }
0x9d: {  	[timem:s7], [sflag:s22] =	dma.local [hbm:s5], s20  }
0x9e: {  	_ =	swait.ge [sflag:s22], s20  }
0x9f: {  	s4 =	ssub.s32 $0x0, s20;
	[sflag:s22] =	ssyncset.done $0x0  }
0xa0: {  	[sflag:s22] =	ssyncadd.s32 s4;
	_ =	sdelay $0x1  }
0xa1: {  	s23 =	simm.s32 $0x1B8B  }
0xa2: {  	_ =	swait.ge [sflag:s23], $0x1  }
0xa3: {  	[sflag:s23] =	ssyncset.done $0x0  }
0xa4: {  	s25 =	simm.s32 $0x1B8E;
	s24 =	sld [smem:$0x3FFE];
	[sflag:s23] =	ssyncadd.s32 $0xFFFFFFFF  }
0xa5: {  	s26 =	simm.s32 $execute0_lowered;
	[smem:$0x3FD2] =	sst s25  }
0xa6: {  	s5 =	sshll.u32 s26, $0x1;
	_ =	strace $0x80000046;
	[dreg:$0x1] =	wrdreg $0xFFFFFFFF  }
0xa7: {  	s28 =	simm.s32 $_size_execute0_lowered;
	s3 =	sadd.s32 s3, s5;
	[dreg:$0x0] =	wrdreg $0x0  }
0xa8: {  	s5 =	sshll.u32 s28, $0x1;
	[dreg:$0x2] =	wrdreg s3  }
0xa9: {  	[dreg:$0x3] =	wrdreg s5  }
0xaa: {  	[dreg:$0x4] =	wrdreg $0xC0  }
0xab: {  	_ =	task [dreg:s7], $0x5FFFF  }
0xac: {  	[dreg:$0x1] =	wrdreg $0xFFFFFFFF  }
0xad: {  	[dreg:$0x0] =	wrdreg $0x60  }
0xae: {  	[dreg:$0x2] =	wrdreg s2  }
0xaf: {  	[dreg:$0x3] =	wrdreg s24  }
0xb0: {  	[dreg:$0x4] =	wrdreg $0x9  }
0xb1: {  	_ =	task.clear_ibuf [dreg:s7], $0x5FFFF;
	_ =	strace $0x90000046  }
0xb2: {  	s29 =	simm.s32 $0x9;
	_ =	strace $0x80000048  }
0xb3: {  	_ =	swait.ge [sflag:s29], $0x1  }
0xb4: {  	[sflag:s29] =	ssyncadd.s32 $0xFFFFFFFF  }
0xb5: {  	_ =	strace $0x90000048  }
0xb6: {  	_ =	sfence  }
0xb7: {  	s30 =	sld [smem:$0x0];
	_ =	sdelay $0x2  }
0xb8: {  	s31 =	sshll.u32 s1, $0xD;
	s1 =	sshrl.u32 s1, $0x2  }
0xb9: {  	s3 =	sand.u32 $0x4000, s31;
	s1 =	sadd.s32 s1, s30  }
0xba: {  	s0 =	sor.u32 s3, s0;
	s1 =	sshll.u32 s1, $0x11  }
0xbb: {  	s0 =	sor.u32 s1, s0  }
0xbc: {  	s0 =	sadd.s32 $0x8F2B, s0  }
0xbd: {  	[sflag:s0] =	ssyncadd.remote.s32 $0x1  }
0xbe: {  	_ =	sfence.sel $0xFFFF  }
0xbf: {  	[dreg:$0x0] =	wrdreg $0xFFFFFFFF;
	(pc) =	sbr.abs _section_cstart, $3  }
0xc0: {  	[dreg:$0x1] =	wrdreg $0xFFFFFFFF  }
0xc1: {  	_ =	task.clear_ibuf [dreg:s7], $0x2FFFF;
	_ =	strace $0x9FFFFFFF  }
0xc2: {  	(tm) =	ssettm $0x7FFFFFFF  }
0xc3: {  	_ =	shalt  }
tec
execute0_lowered:
.L_overlay_start_1:
0x0: {  	(tag) =	ssettag $0x1  }
0x1: {  	s3 =	rddreg [dreg:$0x0]  }
0x2: {  	s7 =	rddreg [dreg:$0x1];
	s2 =	srdreg.scid  }
0x3: {  	s0 =	rddreg [dreg:$0x2];
	s1 =	stileid.u32;
	s8 =	sand.u32 $0x1, s2  }
0x4: {  	s2 =	simm.s32 $0x0;
	s4 =	sshll.u32 s1, $0x3;
	s5 =	sshll.u32 s8, $0x2  }
0x5: {  	[smem:$0x7FF] =	sst s2;
	s9 =	sor.u32 s5, s4  }
0x6: {  	_ =	strace $0x80000047;
	s4 =	sadd.s32 s3, s9;
	s3 =	simm.s32 $0x1  }
0x7: {  	[tilespmem:s2], [sflag:$0x1] =	stream.linear.gather [hbm4b:s4+s2], $0x20, $0x38;
	[tilespmem:$0x8100] =	vst v63  }
0x8: {  	_ =	swait.ge [sflag:s3], $0x20  }
0x9: {  	[sflag:s3] =	ssyncset.done $0x0  }
0xa: {  	s6 =	simm.s32 $0x80;
	s5 =	sadd.s32 $0x800, s7;
	[sflag:s3] =	ssyncadd.s32 $0xFFFFFFE0  }
0xb: {  	[tilespmem:s6], [sflag:$0x1] =	stream.linear.gather [hbm4b:s5+s2], $0x8000, $0x38;
	[tilespmem:$0x8100] =	vst v63  }
0xc: {  	_ =	swait.ge [sflag:s3], $0x8000  }
0xd: {  	[sflag:s3] =	ssyncset.done $0x0  }
0xe: {  	[sflag:s3] =	ssyncadd.s32 $0xFFFF8000  }
0xf: {  	v0 =	vld [tilespmem:$0x0];
	_ =	sdelay $0x5  }
0x10: {  	v1 =	vld [tilespmem:$0x10];
	_ =	sdelay $0x1  }
0x11: {  	v0 =	vld.idx.msk [tilespmem:v0+s6+$0x0], $0xffff;
	_ =	sdelay $0x4  }
0x12: {  	s8 =	ssub.s32 $0x2, s8;
	[tilespmem:$0x8080] =	vst v0  }
0x13: {  	s10 =	sshrl.u32 s8, $0x1;
	v0 =	vld.idx.msk [tilespmem:v1+s6+$0x0], $0xffff  }
0x14: {  	s8 =	ssub.s32 s8, s10  }
0x15: {  	s31 =	smax.u32 s8, $0x1  }
0x16: {  	p0 =	sne.s32 s31, $0x1  }
.Ltmp0:
0x17: {  	s7 =	sadd.s32 s9, s7;
	(pc) =	sbr.rel @!p0 .LBB2_2-.Ltmp0, $4  }
0x18: {  	s7 =	sadd.s32 $0x1800, s7;
	s8 =	simm.s32 $0x8080;
	[tilespmem:$0x8090] =	vst v0  }
0x19: {  	[hbm4b:s7+s2] =	stream.linear.scatter [tilespmem:s8], [sflag:$0x1], $0x20, $0x38;
	[tilespmem:$0x8100] =	vst v63  }
0x1a: {  	_ =	swait.ge [sflag:s3], $0x20  }
0x1b: {  	s9 =	sadd.s32 $0xFFFFFFFF, s31;
	[sflag:s3] =	ssyncset.done $0x0  }
.LBB2_1:
0x1c: {  	p0 =	sne.s32 s9, $0x1;
	s9 =	sadd.s32 $0xFFFFFFFF, s9;
	[sflag:s3] =	ssyncadd.s32 $0xFFFFFFE0  }
0x1d: {  	[tilespmem:s2], [sflag:$0x1] =	stream.linear.gather [hbm4b:s4+s2], $0x20, $0x38;
	[tilespmem:$0x8100] =	vst v63  }
0x1e: {  	_ =	swait.ge [sflag:s3], $0x20  }
0x1f: {  	[sflag:s3] =	ssyncset.done $0x0  }
0x20: {  	[sflag:s3] =	ssyncadd.s32 $0xFFFFFFE0  }
0x21: {  	[tilespmem:s6], [sflag:$0x1] =	stream.linear.gather [hbm4b:s5+s2], $0x8000, $0x38;
	[tilespmem:$0x8100] =	vst v63  }
0x22: {  	_ =	swait.ge [sflag:s3], $0x8000  }
0x23: {  	[sflag:s3] =	ssyncset.done $0x0  }
0x24: {  	[sflag:s3] =	ssyncadd.s32 $0xFFFF8000  }
0x25: {  	v0 =	vld [tilespmem:$0x0];
	_ =	sdelay $0x6  }
0x26: {  	v1 =	vld [tilespmem:$0x10]  }
0x27: {  	v0 =	vld.idx.msk [tilespmem:v0+s6+$0x0], $0xffff;
	_ =	sdelay $0x5  }
0x28: {  	[tilespmem:$0x8080] =	vst v0  }
0x29: {  	v0 =	vld.idx.msk [tilespmem:v1+s6+$0x0], $0xffff;
	_ =	sdelay $0x4  }
.Ltmp1:
0x2a: {  	(pc) =	sbr.rel @p0 .LBB2_1-.Ltmp1, $4  }
0x2b: {  	[tilespmem:$0x8090] =	vst v0  }
0x2c: {  	[hbm4b:s7+s2] =	stream.linear.scatter [tilespmem:s8], [sflag:$0x1], $0x20, $0x38;
	[tilespmem:$0x8100] =	vst v63  }
0x2d: {  	_ =	swait.ge [sflag:s3], $0x20  }
0x2e: {  	[sflag:s3] =	ssyncset.done $0x0  }
.LBB2_2:
0x2f: {  	[sflag:s3] =	ssyncadd.s32 $0xFFFFFFE0  }
0x30: {  	_ =	sfence.sel $0x180000  }
0x31: {  	[bflag:$0x0] =	sbarrier.arrive $0xFFFF  }
0x32: {  	p0 =	sne.s32 s1, $0x0;
	_ =	strace $0x90000047  }
0x33: {  	s0 =	sadd.s32 @!p0 $0x100000, s0;
	[bflag:$0x2] =	sbarrier.arrive $0xFFFF  }
0x34: {  	[sflag:s0] =	ssyncadd.tile.s32 @!p0 $0x1;
	_ =	shalt  }
.Lfunc_end2:
_tile_overlayer_lowered:
.L_overlay_start_2:
0x35: {  	(tag) =	ssettag $0x2  }
0x36: {  	s0 =	rddreg [dreg:$0x0];
	s2 =	stileid.u32  }
0x37: {  	s1 =	rddreg [dreg:$0x1];
	p0 =	sne.s32 s2, $0x0  }
0x38: {  	s3 =	rddreg [dreg:$0x2];
	[bflag:$0x3] =	sbarrier.arrive $0xFFFF;
	s2 =	simm.s32 @!p0 $0x1C01  }
0x39: {  	[timem:s3], [sflag:s2] =	dma.local @!p0 [hbm:s0], s1  }
0x3a: {  	s0 =	simm.s32 @!p0 $0x1  }
0x3b: {  	_ =	swait.ge @!p0 [sflag:s0], s1  }
0x3c: {  	s1 =	ssub.s32 @!p0 $0x0, s1;
	[sflag:s0] =	ssyncset.done @!p0 $0x0  }
0x3d: {  	[sflag:s0] =	ssyncadd.s32 @!p0 s1  }
0x3e: {  	[bflag:$0x3] =	sbarrier.arrive $0xFFFF  }
0x3f: {  	_ =	shalt  }

</sc_bundles>
